<compile_context>
chip_gen: v7x
topology: tpu7x:2x2x1
jax: 0.10.2.dev20260603
libtpu: 0.0.44.dev20260713+nightly
codegen_flags: <defaults>
</compile_context>

<pallas_src>
import functools

import jax
import jax.numpy as jnp
from jax import lax
from jax.experimental import pallas as pl
from jax.experimental.pallas import tpu as pltpu
from jax.experimental.pallas import tpu_sc as plsc

D = 128
N_NODES = 10000
N_EDGES = 320000

NC = 2
NS = 16
NW = NC * NS

CHUNK = 128
NB = 2
GRP = 8
NG = 10
K = NG * GRP
EPT = K * CHUNK
E_PAD = NW * EPT
ROWS_PER_TILE = 632
ACC_ROWS = ROWS_PER_TILE * NS


def _sc_scatter_build():
    mesh = plsc.VectorSubcoreMesh(core_axis_name="c", subcore_axis_name="s")

    @functools.partial(
        pl.kernel,
        out_type=jax.ShapeDtypeStruct((NC, ACC_ROWS, D), jnp.float32),
        mesh=mesh,
        scratch_types=[
            pltpu.VMEM((2, GRP, CHUNK), jnp.int32),
            pltpu.VMEM((2, GRP, CHUNK), jnp.int32),
            pltpu.VMEM((CHUNK, D), jnp.float32),
            pltpu.VMEM((CHUNK, D), jnp.float32),
            pltpu.SemaphoreType.DMA,
            pltpu.SemaphoreType.DMA,
            pltpu.SemaphoreType.DMA,
            pltpu.SemaphoreType.DMA,
            pltpu.SemaphoreType.DMA,
            pltpu.SemaphoreType.DMA,
            pltpu.VMEM_SHARED((ACC_ROWS, D), jnp.float32),
        ],
    )
    def sc_scatter(x_hbm, col_hbm, row_hbm, zrows_hbm, out_hbm, cidx, ridx,
                   b0, b1, g0, g1, t0, t1, isem, zsem, acc_sh):
        bufs = (b0, b1)
        gsems = (g0, g1)
        ssems = (t0, t1)
        c = lax.axis_index("c")
        s = lax.axis_index("s")
        wid = c * NS + s
        base = pl.multiple_of(s * ROWS_PER_TILE, 8)

        def idx_copy_group(m, p, sync):
            start = pl.multiple_of(m * GRP, GRP)
            src_c = col_hbm.at[wid, pl.ds(start, GRP)]
            src_r = row_hbm.at[wid, pl.ds(start, GRP)]
            if sync:
                pltpu.sync_copy(src_c, cidx.at[p])
                pltpu.sync_copy(src_r, ridx.at[p])
            else:
                pltpu.async_copy(src_c, cidx.at[p], isem)
                pltpu.async_copy(src_r, ridx.at[p], isem)

        def idx_wait_group(m, p):
            start = pl.multiple_of(m * GRP, GRP)
            pltpu.make_async_copy(
                col_hbm.at[wid, pl.ds(start, GRP)], cidx.at[p], isem).wait()
            pltpu.make_async_copy(
                row_hbm.at[wid, pl.ds(start, GRP)], ridx.at[p], isem).wait()

        def gather_start(p, q, b):
            pltpu.async_copy(x_hbm.at[cidx.at[p, q]], bufs[b], gsems[b])

        def gather_wait(p, q, b):
            pltpu.make_async_copy(
                x_hbm.at[cidx.at[p, q]], bufs[b], gsems[b]).wait()

        def scatter_start(p, q, b):
            pltpu.async_copy(bufs[b], acc_sh.at[ridx.at[p, q]], ssems[b],
                             add=True)

        def scatter_wait(p, q, b):
            pltpu.make_async_copy(
                bufs[b], acc_sh.at[ridx.at[p, q]], ssems[b]).wait()

        idx_copy_group(0, 0, sync=True)
        gather_start(0, 0, 0)
        gather_start(0, 1, 1)
        pltpu.async_copy(zrows_hbm, acc_sh.at[pl.ds(base, ROWS_PER_TILE)],
                         zsem)
        pltpu.make_async_copy(zrows_hbm,
                              acc_sh.at[pl.ds(base, ROWS_PER_TILE)],
                              zsem).wait()
        plsc.subcore_barrier()

        def body(jj2, carry):
            for p in (0, 1):
                m = jj2 * 2 + p

                @pl.when(m + 1 < NG)
                def _pref():
                    idx_copy_group(m + 1, 1 - p, sync=False)

                for q in range(GRP):
                    b = q % 2
                    ob = 1 - b
                    gather_wait(p, q, b)
                    scatter_start(p, q, b)
                    scatter_wait(p, q, b)
                    if q + NB < GRP:
                        gather_start(p, q + NB, b)
                    else:
                        if q + NB == GRP:
                            @pl.when(m + 1 < NG)
                            def _iw():
                                idx_wait_group(m + 1, 1 - p)

                        @pl.when(m + 1 < NG)
                        def _g():
                            gather_start(1 - p, q + NB - GRP, b)
            return carry

        lax.fori_loop(0, NG // 2, body, 0)
        plsc.subcore_barrier()

        pltpu.sync_copy(
            acc_sh.at[pl.ds(base, ROWS_PER_TILE)],
            out_hbm.at[c, pl.ds(base, ROWS_PER_TILE)],
        )

    return sc_scatter


_sc_scatter = _sc_scatter_build()


def _lstm_body(p_ref, h_ref, c_ref, wih_ref, whh_ref, bih_ref, bhh_ref,
               hn_ref, cn_ref):
    m = p_ref[0] + p_ref[1]
    g = jnp.dot(m, wih_ref[...], preferred_element_type=jnp.float32)
    g = g + jnp.dot(h_ref[...], whh_ref[...], preferred_element_type=jnp.float32)
    g = g + bih_ref[...] + bhh_ref[...]
    i = jax.nn.sigmoid(g[:, :D])
    f = jax.nn.sigmoid(g[:, D:2 * D])
    gg = jnp.tanh(g[:, 2 * D:3 * D])
    o = jax.nn.sigmoid(g[:, 3 * D:])
    cn = f * c_ref[...] + i * gg
    hn_ref[...] = o * jnp.tanh(cn)
    cn_ref[...] = cn


BLK = 1000


def _lstm(partial, h0, c0, wih_t, whh_t, bih, bhh):
    grid = (N_NODES // BLK,)
    return pl.pallas_call(
        _lstm_body,
        grid=grid,
        in_specs=[
            pl.BlockSpec((NC, BLK, D), lambda i: (0, i, 0)),
            pl.BlockSpec((BLK, D), lambda i: (i, 0)),
            pl.BlockSpec((BLK, D), lambda i: (i, 0)),
            pl.BlockSpec((D, 4 * D), lambda i: (0, 0)),
            pl.BlockSpec((D, 4 * D), lambda i: (0, 0)),
            pl.BlockSpec((1, 4 * D), lambda i: (0, 0)),
            pl.BlockSpec((1, 4 * D), lambda i: (0, 0)),
        ],
        out_specs=[
            pl.BlockSpec((BLK, D), lambda i: (i, 0)),
            pl.BlockSpec((BLK, D), lambda i: (i, 0)),
        ],
        out_shape=[
            jax.ShapeDtypeStruct((N_NODES, D), jnp.float32),
            jax.ShapeDtypeStruct((N_NODES, D), jnp.float32),
        ],
    )(partial, h0, c0, wih_t, whh_t, bih, bhh)


def kernel(edge_index, x_l, h0, c0, W_ih, W_hh, b_ih, b_hh):
    ei = edge_index.astype(jnp.int32)
    pad = E_PAD - N_EDGES
    apad = jnp.arange(pad, dtype=jnp.int32)
    row_p = jnp.concatenate([ei[0], N_NODES + apad % (ACC_ROWS - N_NODES)])
    col_p = jnp.concatenate([ei[1], apad % N_NODES])
    row_r = row_p.reshape(NW, K, CHUNK)
    col_r = col_p.reshape(NW, K, CHUNK)

    zrows = jnp.zeros((ROWS_PER_TILE, D), jnp.float32)
    partial = _sc_scatter(x_l, col_r, row_r, zrows)

    h_new, c_new = _lstm(
        partial, h0, c0, W_ih.T, W_hh.T,
        b_ih.reshape(1, -1), b_hh.reshape(1, -1))
    return (h_new, c_new)

# --- scband reference (transcript-rebuilt; emitter-appended) ---
"""Pipeline reference for scband-lit-to-clause-layer-13597866459547 (READ-ONLY COPY).

The authoritative reference and input builder live on the scoring server;
editing this copy changes nothing except your own understanding.
"""

import jax, jax.numpy as jnp
import numpy as np

D_MODEL = 128
N_NODES = 10000
N_EDGES = 320000


def setup_inputs(seed: int = 0) -> dict:
    key = jax.random.key(seed)
    k_ei, k_x, k_h, k_c, k_wih, k_whh, k_bih, k_bhh = jax.random.split(key, 8)
    edge_index = jax.random.randint(k_ei, (2, N_EDGES), 0, N_NODES, dtype=jnp.int64)
    x_l = jax.random.normal(k_x, (N_NODES, D_MODEL), dtype=jnp.float32)
    h0 = jax.random.normal(k_h, (N_NODES, D_MODEL), dtype=jnp.float32)
    c0 = jax.random.normal(k_c, (N_NODES, D_MODEL), dtype=jnp.float32)
    scale = 1.0 / np.sqrt(D_MODEL)
    W_ih = jax.random.uniform(k_wih, (4 * D_MODEL, D_MODEL), dtype=jnp.float32, minval=-scale, maxval=scale)
    W_hh = jax.random.uniform(k_whh, (4 * D_MODEL, D_MODEL), dtype=jnp.float32, minval=-scale, maxval=scale)
    b_ih = jax.random.uniform(k_bih, (4 * D_MODEL,), dtype=jnp.float32, minval=-scale, maxval=scale)
    b_hh = jax.random.uniform(k_bhh, (4 * D_MODEL,), dtype=jnp.float32, minval=-scale, maxval=scale)
    return {"edge_index": edge_index, "x_l": x_l, "h0": h0, "c0": c0,
            "W_ih": W_ih, "W_hh": W_hh, "b_ih": b_ih, "b_hh": b_hh}


def reference(edge_index, x_l, h0, c0, W_ih, W_hh, b_ih, b_hh):
    # msg = matmul(adj_t, x_l): sparse (clause x literal) adjacency applied as
    # gather of literal embeddings + scatter-add into clause rows.
    row = edge_index[0]  # destination clause index
    col = edge_index[1]  # source literal index
    n_clauses = h0.shape[0]
    msg = jnp.zeros((n_clauses, x_l.shape[1]), dtype=x_l.dtype).at[row].add(x_l[col])
    # Single-step LSTM cell (seq_len=1), PyTorch gate order: i, f, g, o
    gates = msg @ W_ih.T + b_ih + h0 @ W_hh.T + b_hh
    i, f, g, o = jnp.split(gates, 4, axis=-1)
    i = jax.nn.sigmoid(i)
    f = jax.nn.sigmoid(f)
    g = jnp.tanh(g)
    o = jax.nn.sigmoid(o)
    c_new = f * c0 + i * g
    h_new = o * jnp.tanh(c_new)
    return (h_new, c_new)

if __name__ == "__main__":
    import jax
    _d = setup_inputs()
    print(jax.jit(kernel)(*tuple(_d.values())))

</pallas_src>

<mosaic_0001>
#map = affine_map<(d0, d1) -> (0, 0)>
#map1 = affine_map<(d0, d1) -> (0, 0, 0)>
module attributes {stable_mosaic.version = 14 : i64} {
  func.func @sc_scatter(%arg0: i32, %arg1: i32, %arg2: memref<10000x128xf32, #tpu.memory_space<hbm>>, %arg3: memref<32x80x128xi32, #tpu.memory_space<hbm>>, %arg4: memref<32x80x128xi32, #tpu.memory_space<hbm>>, %arg5: memref<632x128xf32, #tpu.memory_space<hbm>>, %arg6: memref<2x10112x128xf32, #tpu.memory_space<hbm>>, %arg7: memref<2x8x128xi32, #tpu.memory_space<vmem>>, %arg8: memref<2x8x128xi32, #tpu.memory_space<vmem>>, %arg9: memref<128x128xf32, #tpu.memory_space<vmem>>, %arg10: memref<128x128xf32, #tpu.memory_space<vmem>>, %arg11: memref<!tpu.dma_semaphore, #tpu.memory_space<semaphore_mem>>, %arg12: memref<!tpu.dma_semaphore, #tpu.memory_space<semaphore_mem>>, %arg13: memref<!tpu.dma_semaphore, #tpu.memory_space<semaphore_mem>>, %arg14: memref<!tpu.dma_semaphore, #tpu.memory_space<semaphore_mem>>, %arg15: memref<!tpu.dma_semaphore, #tpu.memory_space<semaphore_mem>>, %arg16: memref<!tpu.dma_semaphore, #tpu.memory_space<semaphore_mem>>, %arg17: memref<10112x128xf32, #tpu.memory_space<vmem_shared>>) attributes {dimension_semantics = [#tpu.dimension_semantics<core_parallel>, #tpu.dimension_semantics<subcore_parallel>], iteration_bounds = array<i64: 2, 16>, scalar_prefetch = 0 : i64, scratch_operands = 11 : i64, tpu.core_type = #tpu.core_type<sc_vector_subcore>, window_params = [{transform_indices = #map}, {transform_indices = #map1}, {transform_indices = #map1}, {transform_indices = #map}, {transform_indices = #map1}]} {
    %mul3A = arith.constant 16 : i32
    %mul3A_0 = arith.muli %arg0, %mul3A : i32
    %add3A = arith.addi %mul3A_0, %arg1 : i32
    %mul3A_1 = arith.constant 632 : i32
    %mul3A_2 = arith.muli %arg1, %mul3A_1 : i32
    %multiple_of3A = tpu.assume_multiple %mul3A_2, 8 : i32
    %multiple_of3A_3 = arith.constant 0 : i32
    %multiple_of3A_4 = tpu.assume_multiple %multiple_of3A_3, 8 : i32
    %run_scoped3A = arith.constant 0 : i32
    "tpu.region"() ({
      %run_scoped3A_30 = tpu.sem_alloc : memref<!tpu.dma_semaphore, #tpu.memory_space<semaphore_mem>>
      %dma_start3A_31 = arith.constant 0 : i32
      %dma_start3A_32 = arith.constant 0 : i32
      %dma_start3A_33 = tpu.memref_slice %arg7[%run_scoped3A, %dma_start3A_31, %dma_start3A_32] : memref<2x8x128xi32, #tpu.memory_space<vmem>> -> memref<1x8x128xi32, #tpu.memory_space<vmem>>
      %dma_start3A_34 = tpu.memref_squeeze %dma_start3A_33 : memref<1x8x128xi32, #tpu.memory_space<vmem>> -> memref<8x128xi32, #tpu.memory_space<vmem>>
      %dma_start3A_35 = arith.constant 0 : i32
      %dma_start3A_36 = tpu.memref_slice %arg3[%add3A, %multiple_of3A_4, %dma_start3A_35] : memref<32x80x128xi32, #tpu.memory_space<hbm>> -> memref<1x8x128xi32, #tpu.memory_space<hbm>>
      %dma_start3A_37 = tpu.memref_squeeze %dma_start3A_36 : memref<1x8x128xi32, #tpu.memory_space<hbm>> -> memref<8x128xi32, #tpu.memory_space<hbm>>
      %dma_start3A_38 = arith.constant 0 : i32
      %dma_start3A_39 = arith.constant 0 : i32
      %dma_start3A_40 = tpu.memref_slice %arg7[%run_scoped3A, %dma_start3A_38, %dma_start3A_39] : memref<2x8x128xi32, #tpu.memory_space<vmem>> -> memref<1x8x128xi32, #tpu.memory_space<vmem>>
      %dma_start3A_41 = tpu.memref_squeeze %dma_start3A_40 : memref<1x8x128xi32, #tpu.memory_space<vmem>> -> memref<8x128xi32, #tpu.memory_space<vmem>>
      %dma_start3A_42 = arith.constant 0 : i32
      %dma_start3A_43 = tpu.memref_slice %arg3[%add3A, %multiple_of3A_4, %dma_start3A_42] : memref<32x80x128xi32, #tpu.memory_space<hbm>> -> memref<1x8x128xi32, #tpu.memory_space<hbm>>
      %dma_start3A_44 = tpu.memref_squeeze %dma_start3A_43 : memref<1x8x128xi32, #tpu.memory_space<hbm>> -> memref<8x128xi32, #tpu.memory_space<hbm>>
      tpu.enqueue_dma source(%dma_start3A_44 : memref<8x128xi32, #tpu.memory_space<hbm>>) target(%dma_start3A_41 : memref<8x128xi32, #tpu.memory_space<vmem>>) target_semaphore(%run_scoped3A_30 : memref<!tpu.dma_semaphore, #tpu.memory_space<semaphore_mem>>)
      %dma_wait3A_45 = arith.constant 0 : i32
      %dma_wait3A_46 = arith.constant 0 : i32
      %dma_wait3A_47 = tpu.memref_slice %arg7[%run_scoped3A, %dma_wait3A_45, %dma_wait3A_46] : memref<2x8x128xi32, #tpu.memory_space<vmem>> -> memref<1x8x128xi32, #tpu.memory_space<vmem>>
      %dma_wait3A_48 = tpu.memref_squeeze %dma_wait3A_47 : memref<1x8x128xi32, #tpu.memory_space<vmem>> -> memref<8x128xi32, #tpu.memory_space<vmem>>
      %dma_wait3A_49 = arith.constant 0 : i32
      %dma_wait3A_50 = tpu.memref_slice %arg3[%add3A, %multiple_of3A_4, %dma_wait3A_49] : memref<32x80x128xi32, #tpu.memory_space<hbm>> -> memref<1x8x128xi32, #tpu.memory_space<hbm>>
      %dma_wait3A_51 = tpu.memref_squeeze %dma_wait3A_50 : memref<1x8x128xi32, #tpu.memory_space<hbm>> -> memref<8x128xi32, #tpu.memory_space<hbm>>
      %dma_wait3A_52 = arith.constant 0 : i32
      %dma_wait3A_53 = arith.constant 0 : i32
      %dma_wait3A_54 = tpu.memref_slice %arg7[%run_scoped3A, %dma_wait3A_52, %dma_wait3A_53] : memref<2x8x128xi32, #tpu.memory_space<vmem>> -> memref<1x8x128xi32, #tpu.memory_space<vmem>>
      %dma_wait3A_55 = tpu.memref_squeeze %dma_wait3A_54 : memref<1x8x128xi32, #tpu.memory_space<vmem>> -> memref<8x128xi32, #tpu.memory_space<vmem>>
      %dma_wait3A_56 = arith.constant 0 : i32
      %dma_wait3A_57 = tpu.memref_slice %arg3[%add3A, %multiple_of3A_4, %dma_wait3A_56] : memref<32x80x128xi32, #tpu.memory_space<hbm>> -> memref<1x8x128xi32, #tpu.memory_space<hbm>>
      %dma_wait3A_58 = tpu.memref_squeeze %dma_wait3A_57 : memref<1x8x128xi32, #tpu.memory_space<hbm>> -> memref<8x128xi32, #tpu.memory_space<hbm>>
      tpu.wait_dma2 semaphore(%run_scoped3A_30 : memref<!tpu.dma_semaphore, #tpu.memory_space<semaphore_mem>>) src(%dma_wait3A_58 : memref<8x128xi32, #tpu.memory_space<hbm>>) dst(%dma_wait3A_55 : memref<8x128xi32, #tpu.memory_space<vmem>>)
      tpu.yield
    }) : () -> ()
    %run_scoped3A_5 = arith.constant 0 : i32
    "tpu.region"() ({
      %run_scoped3A_30 = tpu.sem_alloc : memref<!tpu.dma_semaphore, #tpu.memory_space<semaphore_mem>>
      %dma_start3A_31 = arith.constant 0 : i32
      %dma_start3A_32 = arith.constant 0 : i32
      %dma_start3A_33 = tpu.memref_slice %arg8[%run_scoped3A_5, %dma_start3A_31, %dma_start3A_32] : memref<2x8x128xi32, #tpu.memory_space<vmem>> -> memref<1x8x128xi32, #tpu.memory_space<vmem>>
      %dma_start3A_34 = tpu.memref_squeeze %dma_start3A_33 : memref<1x8x128xi32, #tpu.memory_space<vmem>> -> memref<8x128xi32, #tpu.memory_space<vmem>>
      %dma_start3A_35 = arith.constant 0 : i32
      %dma_start3A_36 = tpu.memref_slice %arg4[%add3A, %multiple_of3A_4, %dma_start3A_35] : memref<32x80x128xi32, #tpu.memory_space<hbm>> -> memref<1x8x128xi32, #tpu.memory_space<hbm>>
      %dma_start3A_37 = tpu.memref_squeeze %dma_start3A_36 : memref<1x8x128xi32, #tpu.memory_space<hbm>> -> memref<8x128xi32, #tpu.memory_space<hbm>>
      %dma_start3A_38 = arith.constant 0 : i32
      %dma_start3A_39 = arith.constant 0 : i32
      %dma_start3A_40 = tpu.memref_slice %arg8[%run_scoped3A_5, %dma_start3A_38, %dma_start3A_39] : memref<2x8x128xi32, #tpu.memory_space<vmem>> -> memref<1x8x128xi32, #tpu.memory_space<vmem>>
      %dma_start3A_41 = tpu.memref_squeeze %dma_start3A_40 : memref<1x8x128xi32, #tpu.memory_space<vmem>> -> memref<8x128xi32, #tpu.memory_space<vmem>>
      %dma_start3A_42 = arith.constant 0 : i32
      %dma_start3A_43 = tpu.memref_slice %arg4[%add3A, %multiple_of3A_4, %dma_start3A_42] : memref<32x80x128xi32, #tpu.memory_space<hbm>> -> memref<1x8x128xi32, #tpu.memory_space<hbm>>
      %dma_start3A_44 = tpu.memref_squeeze %dma_start3A_43 : memref<1x8x128xi32, #tpu.memory_space<hbm>> -> memref<8x128xi32, #tpu.memory_space<hbm>>
      tpu.enqueue_dma source(%dma_start3A_44 : memref<8x128xi32, #tpu.memory_space<hbm>>) target(%dma_start3A_41 : memref<8x128xi32, #tpu.memory_space<vmem>>) target_semaphore(%run_scoped3A_30 : memref<!tpu.dma_semaphore, #tpu.memory_space<semaphore_mem>>)
      %dma_wait3A_45 = arith.constant 0 : i32
      %dma_wait3A_46 = arith.constant 0 : i32
      %dma_wait3A_47 = tpu.memref_slice %arg8[%run_scoped3A_5, %dma_wait3A_45, %dma_wait3A_46] : memref<2x8x128xi32, #tpu.memory_space<vmem>> -> memref<1x8x128xi32, #tpu.memory_space<vmem>>
      %dma_wait3A_48 = tpu.memref_squeeze %dma_wait3A_47 : memref<1x8x128xi32, #tpu.memory_space<vmem>> -> memref<8x128xi32, #tpu.memory_space<vmem>>
      %dma_wait3A_49 = arith.constant 0 : i32
      %dma_wait3A_50 = tpu.memref_slice %arg4[%add3A, %multiple_of3A_4, %dma_wait3A_49] : memref<32x80x128xi32, #tpu.memory_space<hbm>> -> memref<1x8x128xi32, #tpu.memory_space<hbm>>
      %dma_wait3A_51 = tpu.memref_squeeze %dma_wait3A_50 : memref<1x8x128xi32, #tpu.memory_space<hbm>> -> memref<8x128xi32, #tpu.memory_space<hbm>>
      %dma_wait3A_52 = arith.constant 0 : i32
      %dma_wait3A_53 = arith.constant 0 : i32
      %dma_wait3A_54 = tpu.memref_slice %arg8[%run_scoped3A_5, %dma_wait3A_52, %dma_wait3A_53] : memref<2x8x128xi32, #tpu.memory_space<vmem>> -> memref<1x8x128xi32, #tpu.memory_space<vmem>>
      %dma_wait3A_55 = tpu.memref_squeeze %dma_wait3A_54 : memref<1x8x128xi32, #tpu.memory_space<vmem>> -> memref<8x128xi32, #tpu.memory_space<vmem>>
      %dma_wait3A_56 = arith.constant 0 : i32
      %dma_wait3A_57 = tpu.memref_slice %arg4[%add3A, %multiple_of3A_4, %dma_wait3A_56] : memref<32x80x128xi32, #tpu.memory_space<hbm>> -> memref<1x8x128xi32, #tpu.memory_space<hbm>>
      %dma_wait3A_58 = tpu.memref_squeeze %dma_wait3A_57 : memref<1x8x128xi32, #tpu.memory_space<hbm>> -> memref<8x128xi32, #tpu.memory_space<hbm>>
      tpu.wait_dma2 semaphore(%run_scoped3A_30 : memref<!tpu.dma_semaphore, #tpu.memory_space<semaphore_mem>>) src(%dma_wait3A_58 : memref<8x128xi32, #tpu.memory_space<hbm>>) dst(%dma_wait3A_55 : memref<8x128xi32, #tpu.memory_space<vmem>>)
      tpu.yield
    }) : () -> ()
    %dma_start3A = arith.constant 0 : i32
    %dma_start3A_6 = arith.constant 0 : i32
    %dma_start3A_7 = arith.constant 0 : i32
    %dma_start3A_8 = tpu.memref_slice %arg7[%dma_start3A, %dma_start3A_6, %dma_start3A_7] : memref<2x8x128xi32, #tpu.memory_space<vmem>> -> memref<1x1x128xi32, #tpu.memory_space<vmem>>
    %dma_start3A_9 = tpu.memref_squeeze %dma_start3A_8 : memref<1x1x128xi32, #tpu.memory_space<vmem>> -> memref<128xi32, #tpu.memory_space<vmem>>
    %dma_start3A_10 = arith.constant 0 : i32
    %dma_start3A_11 = arith.constant 0 : i32
    %dma_start3A_12 = tpu.memref_slice %arg2[%dma_start3A_10, %dma_start3A_11] : memref<10000x128xf32, #tpu.memory_space<hbm>> -> memref<10000x128xf32, #tpu.memory_space<hbm>>
    tpu.enqueue_indirect_dma source(%dma_start3A_12 : memref<10000x128xf32, #tpu.memory_space<hbm>>) target(%arg9 : memref<128x128xf32, #tpu.memory_space<vmem>>) offsets(%dma_start3A_9 : memref<128xi32, #tpu.memory_space<vmem>>) semaphore(%arg11 : memref<!tpu.dma_semaphore, #tpu.memory_space<semaphore_mem>>)
    %dma_start3A_13 = arith.constant 0 : i32
    %dma_start3A_14 = arith.constant 1 : i32
    %dma_start3A_15 = arith.constant 0 : i32
    %dma_start3A_16 = tpu.memref_slice %arg7[%dma_start3A_13, %dma_start3A_14, %dma_start3A_15] : memref<2x8x128xi32, #tpu.memory_space<vmem>> -> memref<1x1x128xi32, #tpu.memory_space<vmem>>
    %dma_start3A_17 = tpu.memref_squeeze %dma_start3A_16 : memref<1x1x128xi32, #tpu.memory_space<vmem>> -> memref<128xi32, #tpu.memory_space<vmem>>
    %dma_start3A_18 = arith.constant 0 : i32
    %dma_start3A_19 = arith.constant 0 : i32
    %dma_start3A_20 = tpu.memref_slice %arg2[%dma_start3A_18, %dma_start3A_19] : memref<10000x128xf32, #tpu.memory_space<hbm>> -> memref<10000x128xf32, #tpu.memory_space<hbm>>
    tpu.enqueue_indirect_dma source(%dma_start3A_20 : memref<10000x128xf32, #tpu.memory_space<hbm>>) target(%arg10 : memref<128x128xf32, #tpu.memory_space<vmem>>) offsets(%dma_start3A_17 : memref<128xi32, #tpu.memory_space<vmem>>) semaphore(%arg12 : memref<!tpu.dma_semaphore, #tpu.memory_space<semaphore_mem>>)
    %dma_start3A_21 = arith.constant 0 : i32
    %dma_start3A_22 = tpu.memref_slice %arg17[%multiple_of3A, %dma_start3A_21] : memref<10112x128xf32, #tpu.memory_space<vmem_shared>> -> memref<632x128xf32, #tpu.memory_space<vmem_shared>>
    tpu.enqueue_dma source(%arg5 : memref<632x128xf32, #tpu.memory_space<hbm>>) target(%dma_start3A_22 : memref<632x128xf32, #tpu.memory_space<vmem_shared>>) target_semaphore(%arg16 : memref<!tpu.dma_semaphore, #tpu.memory_space<semaphore_mem>>)
    %dma_wait3A = arith.constant 0 : i32
    %dma_wait3A_23 = tpu.memref_slice %arg17[%multiple_of3A, %dma_wait3A] : memref<10112x128xf32, #tpu.memory_space<vmem_shared>> -> memref<632x128xf32, #tpu.memory_space<vmem_shared>>
    tpu.wait_dma2 semaphore(%arg16 : memref<!tpu.dma_semaphore, #tpu.memory_space<semaphore_mem>>) src(%arg5 : memref<632x128xf32, #tpu.memory_space<hbm>>) dst(%dma_wait3A_23 : memref<632x128xf32, #tpu.memory_space<vmem_shared>>)
    %barrier3A = arith.constant 0 : index
    tpu.barrier barrier_id(%barrier3A)
    %scan3A = arith.constant 0 : i32
    %scan3A_24 = arith.constant 0 : i32
    %scan3A_25 = arith.constant 5 : i32
    %scan3A_26 = arith.addi %scan3A_24, %scan3A_25 : i32
    %scan3A_27 = arith.constant 1 : i32
    scf.for %scan3A_30 = %scan3A_24 to %scan3A_26 step %scan3A_27  : i32 {
      %mul3A_31 = arith.constant 2 : i32
      %mul3A_32 = arith.muli %scan3A_30, %mul3A_31 : i32
      %add3A_33 = arith.constant 0 : i32
      %add3A_34 = arith.addi %mul3A_32, %add3A_33 : i32
      %add3A_35 = arith.constant 1 : i32
      %add3A_36 = arith.addi %add3A_34, %add3A_35 : i32
      %lt3A = arith.constant 10 : i32
      %lt3A_37 = arith.cmpi slt, %add3A_36, %lt3A : i32
      %convert_element_type3A = arith.extui %lt3A_37 : i1 to i32
      %cond3A = arith.constant 0 : i32
      %cond3A_38 = arith.cmpi ne, %convert_element_type3A, %cond3A : i32
      scf.if %cond3A_38 {
        %add3A_572 = arith.constant 1 : i32
        %add3A_573 = arith.addi %add3A_34, %add3A_572 : i32
        %mul3A_574 = arith.constant 8 : i32
        %mul3A_575 = arith.muli %add3A_573, %mul3A_574 : i32
        %multiple_of3A_576 = tpu.assume_multiple %mul3A_575, 8 : i32
        %dma_start3A_577 = arith.constant 1 : i32
        %dma_start3A_578 = arith.constant 0 : i32
        %dma_start3A_579 = arith.constant 0 : i32
        %dma_start3A_580 = tpu.memref_slice %arg7[%dma_start3A_577, %dma_start3A_578, %dma_start3A_579] : memref<2x8x128xi32, #tpu.memory_space<vmem>> -> memref<1x8x128xi32, #tpu.memory_space<vmem>>
        %dma_start3A_581 = tpu.memref_squeeze %dma_start3A_580 : memref<1x8x128xi32, #tpu.memory_space<vmem>> -> memref<8x128xi32, #tpu.memory_space<vmem>>
        %dma_start3A_582 = arith.constant 0 : i32
        %dma_start3A_583 = tpu.memref_slice %arg3[%add3A, %multiple_of3A_576, %dma_start3A_582] : memref<32x80x128xi32, #tpu.memory_space<hbm>> -> memref<1x8x128xi32, #tpu.memory_space<hbm>>
        %dma_start3A_584 = tpu.memref_squeeze %dma_start3A_583 : memref<1x8x128xi32, #tpu.memory_space<hbm>> -> memref<8x128xi32, #tpu.memory_space<hbm>>
        %dma_start3A_585 = arith.constant 0 : i32
        %dma_start3A_586 = arith.constant 0 : i32
        %dma_start3A_587 = tpu.memref_slice %arg7[%dma_start3A_577, %dma_start3A_585, %dma_start3A_586] : memref<2x8x128xi32, #tpu.memory_space<vmem>> -> memref<1x8x128xi32, #tpu.memory_space<vmem>>
        %dma_start3A_588 = tpu.memref_squeeze %dma_start3A_587 : memref<1x8x128xi32, #tpu.memory_space<vmem>> -> memref<8x128xi32, #tpu.memory_space<vmem>>
        %dma_start3A_589 = arith.constant 0 : i32
        %dma_start3A_590 = tpu.memref_slice %arg3[%add3A, %multiple_of3A_576, %dma_start3A_589] : memref<32x80x128xi32, #tpu.memory_space<hbm>> -> memref<1x8x128xi32, #tpu.memory_space<hbm>>
        %dma_start3A_591 = tpu.memref_squeeze %dma_start3A_590 : memref<1x8x128xi32, #tpu.memory_space<hbm>> -> memref<8x128xi32, #tpu.memory_space<hbm>>
        tpu.enqueue_dma source(%dma_start3A_591 : memref<8x128xi32, #tpu.memory_space<hbm>>) target(%dma_start3A_588 : memref<8x128xi32, #tpu.memory_space<vmem>>) target_semaphore(%arg15 : memref<!tpu.dma_semaphore, #tpu.memory_space<semaphore_mem>>)
        %dma_start3A_592 = arith.constant 1 : i32
        %dma_start3A_593 = arith.constant 0 : i32
        %dma_start3A_594 = arith.constant 0 : i32
        %dma_start3A_595 = tpu.memref_slice %arg8[%dma_start3A_592, %dma_start3A_593, %dma_start3A_594] : memref<2x8x128xi32, #tpu.memory_space<vmem>> -> memref<1x8x128xi32, #tpu.memory_space<vmem>>
        %dma_start3A_596 = tpu.memref_squeeze %dma_start3A_595 : memref<1x8x128xi32, #tpu.memory_space<vmem>> -> memref<8x128xi32, #tpu.memory_space<vmem>>
        %dma_start3A_597 = arith.constant 0 : i32
        %dma_start3A_598 = tpu.memref_slice %arg4[%add3A, %multiple_of3A_576, %dma_start3A_597] : memref<32x80x128xi32, #tpu.memory_space<hbm>> -> memref<1x8x128xi32, #tpu.memory_space<hbm>>
        %dma_start3A_599 = tpu.memref_squeeze %dma_start3A_598 : memref<1x8x128xi32, #tpu.memory_space<hbm>> -> memref<8x128xi32, #tpu.memory_space<hbm>>
        %dma_start3A_600 = arith.constant 0 : i32
        %dma_start3A_601 = arith.constant 0 : i32
        %dma_start3A_602 = tpu.memref_slice %arg8[%dma_start3A_592, %dma_start3A_600, %dma_start3A_601] : memref<2x8x128xi32, #tpu.memory_space<vmem>> -> memref<1x8x128xi32, #tpu.memory_space<vmem>>
        %dma_start3A_603 = tpu.memref_squeeze %dma_start3A_602 : memref<1x8x128xi32, #tpu.memory_space<vmem>> -> memref<8x128xi32, #tpu.memory_space<vmem>>
        %dma_start3A_604 = arith.constant 0 : i32
        %dma_start3A_605 = tpu.memref_slice %arg4[%add3A, %multiple_of3A_576, %dma_start3A_604] : memref<32x80x128xi32, #tpu.memory_space<hbm>> -> memref<1x8x128xi32, #tpu.memory_space<hbm>>
        %dma_start3A_606 = tpu.memref_squeeze %dma_start3A_605 : memref<1x8x128xi32, #tpu.memory_space<hbm>> -> memref<8x128xi32, #tpu.memory_space<hbm>>
        tpu.enqueue_dma source(%dma_start3A_606 : memref<8x128xi32, #tpu.memory_space<hbm>>) target(%dma_start3A_603 : memref<8x128xi32, #tpu.memory_space<vmem>>) target_semaphore(%arg15 : memref<!tpu.dma_semaphore, #tpu.memory_space<semaphore_mem>>)
      } else {
      }
      %dma_wait3A_39 = arith.constant 0 : i32
      %dma_wait3A_40 = arith.constant 0 : i32
      %dma_wait3A_41 = arith.constant 0 : i32
      %dma_wait3A_42 = tpu.memref_slice %arg7[%dma_wait3A_39, %dma_wait3A_40, %dma_wait3A_41] : memref<2x8x128xi32, #tpu.memory_space<vmem>> -> memref<1x1x128xi32, #tpu.memory_space<vmem>>
      %dma_wait3A_43 = tpu.memref_squeeze %dma_wait3A_42 : memref<1x1x128xi32, #tpu.memory_space<vmem>> -> memref<128xi32, #tpu.memory_space<vmem>>
      %dma_wait3A_44 = arith.constant 0 : i32
      %dma_wait3A_45 = arith.constant 0 : i32
      %dma_wait3A_46 = tpu.memref_slice %arg2[%dma_wait3A_44, %dma_wait3A_45] : memref<10000x128xf32, #tpu.memory_space<hbm>> -> memref<10000x128xf32, #tpu.memory_space<hbm>>
      tpu.wait_indirect_dma semaphore(%arg11 : memref<!tpu.dma_semaphore, #tpu.memory_space<semaphore_mem>>) src(%dma_wait3A_46 : memref<10000x128xf32, #tpu.memory_space<hbm>>) dst(%arg9 : memref<128x128xf32, #tpu.memory_space<vmem>>)
      %dma_start3A_47 = arith.constant 0 : i32
      %dma_start3A_48 = arith.constant 0 : i32
      %dma_start3A_49 = arith.constant 0 : i32
      %dma_start3A_50 = tpu.memref_slice %arg8[%dma_start3A_47, %dma_start3A_48, %dma_start3A_49] : memref<2x8x128xi32, #tpu.memory_space<vmem>> -> memref<1x1x128xi32, #tpu.memory_space<vmem>>
      %dma_start3A_51 = tpu.memref_squeeze %dma_start3A_50 : memref<1x1x128xi32, #tpu.memory_space<vmem>> -> memref<128xi32, #tpu.memory_space<vmem>>
      %dma_start3A_52 = arith.constant 0 : i32
      %dma_start3A_53 = arith.constant 0 : i32
      %dma_start3A_54 = tpu.memref_slice %arg17[%dma_start3A_52, %dma_start3A_53] : memref<10112x128xf32, #tpu.memory_space<vmem_shared>> -> memref<10112x128xf32, #tpu.memory_space<vmem_shared>>
      tpu.enqueue_indirect_dma source(%arg9 : memref<128x128xf32, #tpu.memory_space<vmem>>) target(%dma_start3A_54 : memref<10112x128xf32, #tpu.memory_space<vmem_shared>>) offsets(%dma_start3A_51 : memref<128xi32, #tpu.memory_space<vmem>>) semaphore(%arg13 : memref<!tpu.dma_semaphore, #tpu.memory_space<semaphore_mem>>) {add = true}
      %dma_wait3A_55 = arith.constant 0 : i32
      %dma_wait3A_56 = arith.constant 0 : i32
      %dma_wait3A_57 = arith.constant 0 : i32
      %dma_wait3A_58 = tpu.memref_slice %arg8[%dma_wait3A_55, %dma_wait3A_56, %dma_wait3A_57] : memref<2x8x128xi32, #tpu.memory_space<vmem>> -> memref<1x1x128xi32, #tpu.memory_space<vmem>>
      %dma_wait3A_59 = tpu.memref_squeeze %dma_wait3A_58 : memref<1x1x128xi32, #tpu.memory_space<vmem>> -> memref<128xi32, #tpu.memory_space<vmem>>
      %dma_wait3A_60 = arith.constant 0 : i32
      %dma_wait3A_61 = arith.constant 0 : i32
      %dma_wait3A_62 = tpu.memref_slice %arg17[%dma_wait3A_60, %dma_wait3A_61] : memref<10112x128xf32, #tpu.memory_space<vmem_shared>> -> memref<10112x128xf32, #tpu.memory_space<vmem_shared>>
      tpu.wait_indirect_dma semaphore(%arg13 : memref<!tpu.dma_semaphore, #tpu.memory_space<semaphore_mem>>) src(%arg9 : memref<128x128xf32, #tpu.memory_space<vmem>>) dst(%dma_wait3A_62 : memref<10112x128xf32, #tpu.memory_space<vmem_shared>>)
      %dma_start3A_63 = arith.constant 0 : i32
      %dma_start3A_64 = arith.constant 2 : i32
      %dma_start3A_65 = arith.constant 0 : i32
      %dma_start3A_66 = tpu.memref_slice %arg7[%dma_start3A_63, %dma_start3A_64, %dma_start3A_65] : memref<2x8x128xi32, #tpu.memory_space<vmem>> -> memref<1x1x128xi32, #tpu.memory_space<vmem>>
      %dma_start3A_67 = tpu.memref_squeeze %dma_start3A_66 : memref<1x1x128xi32, #tpu.memory_space<vmem>> -> memref<128xi32, #tpu.memory_space<vmem>>
      %dma_start3A_68 = arith.constant 0 : i32
      %dma_start3A_69 = arith.constant 0 : i32
      %dma_start3A_70 = tpu.memref_slice %arg2[%dma_start3A_68, %dma_start3A_69] : memref<10000x128xf32, #tpu.memory_space<hbm>> -> memref<10000x128xf32, #tpu.memory_space<hbm>>
      tpu.enqueue_indirect_dma source(%dma_start3A_70 : memref<10000x128xf32, #tpu.memory_space<hbm>>) target(%arg9 : memref<128x128xf32, #tpu.memory_space<vmem>>) offsets(%dma_start3A_67 : memref<128xi32, #tpu.memory_space<vmem>>) semaphore(%arg11 : memref<!tpu.dma_semaphore, #tpu.memory_space<semaphore_mem>>)
      %dma_wait3A_71 = arith.constant 0 : i32
      %dma_wait3A_72 = arith.constant 1 : i32
      %dma_wait3A_73 = arith.constant 0 : i32
      %dma_wait3A_74 = tpu.memref_slice %arg7[%dma_wait3A_71, %dma_wait3A_72, %dma_wait3A_73] : memref<2x8x128xi32, #tpu.memory_space<vmem>> -> memref<1x1x128xi32, #tpu.memory_space<vmem>>
      %dma_wait3A_75 = tpu.memref_squeeze %dma_wait3A_74 : memref<1x1x128xi32, #tpu.memory_space<vmem>> -> memref<128xi32, #tpu.memory_space<vmem>>
      %dma_wait3A_76 = arith.constant 0 : i32
      %dma_wait3A_77 = arith.constant 0 : i32
      %dma_wait3A_78 = tpu.memref_slice %arg2[%dma_wait3A_76, %dma_wait3A_77] : memref<10000x128xf32, #tpu.memory_space<hbm>> -> memref<10000x128xf32, #tpu.memory_space<hbm>>
      tpu.wait_indirect_dma semaphore(%arg12 : memref<!tpu.dma_semaphore, #tpu.memory_space<semaphore_mem>>) src(%dma_wait3A_78 : memref<10000x128xf32, #tpu.memory_space<hbm>>) dst(%arg10 : memref<128x128xf32, #tpu.memory_space<vmem>>)
      %dma_start3A_79 = arith.constant 0 : i32
      %dma_start3A_80 = arith.constant 1 : i32
      %dma_start3A_81 = arith.constant 0 : i32
      %dma_start3A_82 = tpu.memref_slice %arg8[%dma_start3A_79, %dma_start3A_80, %dma_start3A_81] : memref<2x8x128xi32, #tpu.memory_space<vmem>> -> memref<1x1x128xi32, #tpu.memory_space<vmem>>
      %dma_start3A_83 = tpu.memref_squeeze %dma_start3A_82 : memref<1x1x128xi32, #tpu.memory_space<vmem>> -> memref<128xi32, #tpu.memory_space<vmem>>
      %dma_start3A_84 = arith.constant 0 : i32
      %dma_start3A_85 = arith.constant 0 : i32
      %dma_start3A_86 = tpu.memref_slice %arg17[%dma_start3A_84, %dma_start3A_85] : memref<10112x128xf32, #tpu.memory_space<vmem_shared>> -> memref<10112x128xf32, #tpu.memory_space<vmem_shared>>
      tpu.enqueue_indirect_dma source(%arg10 : memref<128x128xf32, #tpu.memory_space<vmem>>) target(%dma_start3A_86 : memref<10112x128xf32, #tpu.memory_space<vmem_shared>>) offsets(%dma_start3A_83 : memref<128xi32, #tpu.memory_space<vmem>>) semaphore(%arg14 : memref<!tpu.dma_semaphore, #tpu.memory_space<semaphore_mem>>) {add = true}
      %dma_wait3A_87 = arith.constant 0 : i32
      %dma_wait3A_88 = arith.constant 1 : i32
      %dma_wait3A_89 = arith.constant 0 : i32
      %dma_wait3A_90 = tpu.memref_slice %arg8[%dma_wait3A_87, %dma_wait3A_88, %dma_wait3A_89] : memref<2x8x128xi32, #tpu.memory_space<vmem>> -> memref<1x1x128xi32, #tpu.memory_space<vmem>>
      %dma_wait3A_91 = tpu.memref_squeeze %dma_wait3A_90 : memref<1x1x128xi32, #tpu.memory_space<vmem>> -> memref<128xi32, #tpu.memory_space<vmem>>
      %dma_wait3A_92 = arith.constant 0 : i32
      %dma_wait3A_93 = arith.constant 0 : i32
      %dma_wait3A_94 = tpu.memref_slice %arg17[%dma_wait3A_92, %dma_wait3A_93] : memref<10112x128xf32, #tpu.memory_space<vmem_shared>> -> memref<10112x128xf32, #tpu.memory_space<vmem_shared>>
      tpu.wait_indirect_dma semaphore(%arg14 : memref<!tpu.dma_semaphore, #tpu.memory_space<semaphore_mem>>) src(%arg10 : memref<128x128xf32, #tpu.memory_space<vmem>>) dst(%dma_wait3A_94 : memref<10112x128xf32, #tpu.memory_space<vmem_shared>>)
      %dma_start3A_95 = arith.constant 0 : i32
      %dma_start3A_96 = arith.constant 3 : i32
      %dma_start3A_97 = arith.constant 0 : i32
      %dma_start3A_98 = tpu.memref_slice %arg7[%dma_start3A_95, %dma_start3A_96, %dma_start3A_97] : memref<2x8x128xi32, #tpu.memory_space<vmem>> -> memref<1x1x128xi32, #tpu.memory_space<vmem>>
      %dma_start3A_99 = tpu.memref_squeeze %dma_start3A_98 : memref<1x1x128xi32, #tpu.memory_space<vmem>> -> memref<128xi32, #tpu.memory_space<vmem>>
      %dma_start3A_100 = arith.constant 0 : i32
      %dma_start3A_101 = arith.constant 0 : i32
      %dma_start3A_102 = tpu.memref_slice %arg2[%dma_start3A_100, %dma_start3A_101] : memref<10000x128xf32, #tpu.memory_space<hbm>> -> memref<10000x128xf32, #tpu.memory_space<hbm>>
      tpu.enqueue_indirect_dma source(%dma_start3A_102 : memref<10000x128xf32, #tpu.memory_space<hbm>>) target(%arg10 : memref<128x128xf32, #tpu.memory_space<vmem>>) offsets(%dma_start3A_99 : memref<128xi32, #tpu.memory_space<vmem>>) semaphore(%arg12 : memref<!tpu.dma_semaphore, #tpu.memory_space<semaphore_mem>>)
      %dma_wait3A_103 = arith.constant 0 : i32
      %dma_wait3A_104 = arith.constant 2 : i32
      %dma_wait3A_105 = arith.constant 0 : i32
      %dma_wait3A_106 = tpu.memref_slice %arg7[%dma_wait3A_103, %dma_wait3A_104, %dma_wait3A_105] : memref<2x8x128xi32, #tpu.memory_space<vmem>> -> memref<1x1x128xi32, #tpu.memory_space<vmem>>
      %dma_wait3A_107 = tpu.memref_squeeze %dma_wait3A_106 : memref<1x1x128xi32, #tpu.memory_space<vmem>> -> memref<128xi32, #tpu.memory_space<vmem>>
      %dma_wait3A_108 = arith.constant 0 : i32
      %dma_wait3A_109 = arith.constant 0 : i32
      %dma_wait3A_110 = tpu.memref_slice %arg2[%dma_wait3A_108, %dma_wait3A_109] : memref<10000x128xf32, #tpu.memory_space<hbm>> -> memref<10000x128xf32, #tpu.memory_space<hbm>>
      tpu.wait_indirect_dma semaphore(%arg11 : memref<!tpu.dma_semaphore, #tpu.memory_space<semaphore_mem>>) src(%dma_wait3A_110 : memref<10000x128xf32, #tpu.memory_space<hbm>>) dst(%arg9 : memref<128x128xf32, #tpu.memory_space<vmem>>)
      %dma_start3A_111 = arith.constant 0 : i32
      %dma_start3A_112 = arith.constant 2 : i32
      %dma_start3A_113 = arith.constant 0 : i32
      %dma_start3A_114 = tpu.memref_slice %arg8[%dma_start3A_111, %dma_start3A_112, %dma_start3A_113] : memref<2x8x128xi32, #tpu.memory_space<vmem>> -> memref<1x1x128xi32, #tpu.memory_space<vmem>>
      %dma_start3A_115 = tpu.memref_squeeze %dma_start3A_114 : memref<1x1x128xi32, #tpu.memory_space<vmem>> -> memref<128xi32, #tpu.memory_space<vmem>>
      %dma_start3A_116 = arith.constant 0 : i32
      %dma_start3A_117 = arith.constant 0 : i32
      %dma_start3A_118 = tpu.memref_slice %arg17[%dma_start3A_116, %dma_start3A_117] : memref<10112x128xf32, #tpu.memory_space<vmem_shared>> -> memref<10112x128xf32, #tpu.memory_space<vmem_shared>>
      tpu.enqueue_indirect_dma source(%arg9 : memref<128x128xf32, #tpu.memory_space<vmem>>) target(%dma_start3A_118 : memref<10112x128xf32, #tpu.memory_space<vmem_shared>>) offsets(%dma_start3A_115 : memref<128xi32, #tpu.memory_space<vmem>>) semaphore(%arg13 : memref<!tpu.dma_semaphore, #tpu.memory_space<semaphore_mem>>) {add = true}
      %dma_wait3A_119 = arith.constant 0 : i32
      %dma_wait3A_120 = arith.constant 2 : i32
      %dma_wait3A_121 = arith.constant 0 : i32
      %dma_wait3A_122 = tpu.memref_slice %arg8[%dma_wait3A_119, %dma_wait3A_120, %dma_wait3A_121] : memref<2x8x128xi32, #tpu.memory_space<vmem>> -> memref<1x1x128xi32, #tpu.memory_space<vmem>>
      %dma_wait3A_123 = tpu.memref_squeeze %dma_wait3A_122 : memref<1x1x128xi32, #tpu.memory_space<vmem>> -> memref<128xi32, #tpu.memory_space<vmem>>
      %dma_wait3A_124 = arith.constant 0 : i32
      %dma_wait3A_125 = arith.constant 0 : i32
      %dma_wait3A_126 = tpu.memref_slice %arg17[%dma_wait3A_124, %dma_wait3A_125] : memref<10112x128xf32, #tpu.memory_space<vmem_shared>> -> memref<10112x128xf32, #tpu.memory_space<vmem_shared>>
      tpu.wait_indirect_dma semaphore(%arg13 : memref<!tpu.dma_semaphore, #tpu.memory_space<semaphore_mem>>) src(%arg9 : memref<128x128xf32, #tpu.memory_space<vmem>>) dst(%dma_wait3A_126 : memref<10112x128xf32, #tpu.memory_space<vmem_shared>>)
      %dma_start3A_127 = arith.constant 0 : i32
      %dma_start3A_128 = arith.constant 4 : i32
      %dma_start3A_129 = arith.constant 0 : i32
      %dma_start3A_130 = tpu.memref_slice %arg7[%dma_start3A_127, %dma_start3A_128, %dma_start3A_129] : memref<2x8x128xi32, #tpu.memory_space<vmem>> -> memref<1x1x128xi32, #tpu.memory_space<vmem>>
      %dma_start3A_131 = tpu.memref_squeeze %dma_start3A_130 : memref<1x1x128xi32, #tpu.memory_space<vmem>> -> memref<128xi32, #tpu.memory_space<vmem>>
      %dma_start3A_132 = arith.constant 0 : i32
      %dma_start3A_133 = arith.constant 0 : i32
      %dma_start3A_134 = tpu.memref_slice %arg2[%dma_start3A_132, %dma_start3A_133] : memref<10000x128xf32, #tpu.memory_space<hbm>> -> memref<10000x128xf32, #tpu.memory_space<hbm>>
      tpu.enqueue_indirect_dma source(%dma_start3A_134 : memref<10000x128xf32, #tpu.memory_space<hbm>>) target(%arg9 : memref<128x128xf32, #tpu.memory_space<vmem>>) offsets(%dma_start3A_131 : memref<128xi32, #tpu.memory_space<vmem>>) semaphore(%arg11 : memref<!tpu.dma_semaphore, #tpu.memory_space<semaphore_mem>>)
      %dma_wait3A_135 = arith.constant 0 : i32
      %dma_wait3A_136 = arith.constant 3 : i32
      %dma_wait3A_137 = arith.constant 0 : i32
      %dma_wait3A_138 = tpu.memref_slice %arg7[%dma_wait3A_135, %dma_wait3A_136, %dma_wait3A_137] : memref<2x8x128xi32, #tpu.memory_space<vmem>> -> memref<1x1x128xi32, #tpu.memory_space<vmem>>
      %dma_wait3A_139 = tpu.memref_squeeze %dma_wait3A_138 : memref<1x1x128xi32, #tpu.memory_space<vmem>> -> memref<128xi32, #tpu.memory_space<vmem>>
      %dma_wait3A_140 = arith.constant 0 : i32
      %dma_wait3A_141 = arith.constant 0 : i32
      %dma_wait3A_142 = tpu.memref_slice %arg2[%dma_wait3A_140, %dma_wait3A_141] : memref<10000x128xf32, #tpu.memory_space<hbm>> -> memref<10000x128xf32, #tpu.memory_space<hbm>>
      tpu.wait_indirect_dma semaphore(%arg12 : memref<!tpu.dma_semaphore, #tpu.memory_space<semaphore_mem>>) src(%dma_wait3A_142 : memref<10000x128xf32, #tpu.memory_space<hbm>>) dst(%arg10 : memref<128x128xf32, #tpu.memory_space<vmem>>)
      %dma_start3A_143 = arith.constant 0 : i32
      %dma_start3A_144 = arith.constant 3 : i32
      %dma_start3A_145 = arith.constant 0 : i32
      %dma_start3A_146 = tpu.memref_slice %arg8[%dma_start3A_143, %dma_start3A_144, %dma_start3A_145] : memref<2x8x128xi32, #tpu.memory_space<vmem>> -> memref<1x1x128xi32, #tpu.memory_space<vmem>>
      %dma_start3A_147 = tpu.memref_squeeze %dma_start3A_146 : memref<1x1x128xi32, #tpu.memory_space<vmem>> -> memref<128xi32, #tpu.memory_space<vmem>>
      %dma_start3A_148 = arith.constant 0 : i32
      %dma_start3A_149 = arith.constant 0 : i32
      %dma_start3A_150 = tpu.memref_slice %arg17[%dma_start3A_148, %dma_start3A_149] : memref<10112x128xf32, #tpu.memory_space<vmem_shared>> -> memref<10112x128xf32, #tpu.memory_space<vmem_shared>>
      tpu.enqueue_indirect_dma source(%arg10 : memref<128x128xf32, #tpu.memory_space<vmem>>) target(%dma_start3A_150 : memref<10112x128xf32, #tpu.memory_space<vmem_shared>>) offsets(%dma_start3A_147 : memref<128xi32, #tpu.memory_space<vmem>>) semaphore(%arg14 : memref<!tpu.dma_semaphore, #tpu.memory_space<semaphore_mem>>) {add = true}
      %dma_wait3A_151 = arith.constant 0 : i32
      %dma_wait3A_152 = arith.constant 3 : i32
      %dma_wait3A_153 = arith.constant 0 : i32
      %dma_wait3A_154 = tpu.memref_slice %arg8[%dma_wait3A_151, %dma_wait3A_152, %dma_wait3A_153] : memref<2x8x128xi32, #tpu.memory_space<vmem>> -> memref<1x1x128xi32, #tpu.memory_space<vmem>>
      %dma_wait3A_155 = tpu.memref_squeeze %dma_wait3A_154 : memref<1x1x128xi32, #tpu.memory_space<vmem>> -> memref<128xi32, #tpu.memory_space<vmem>>
      %dma_wait3A_156 = arith.constant 0 : i32
      %dma_wait3A_157 = arith.constant 0 : i32
      %dma_wait3A_158 = tpu.memref_slice %arg17[%dma_wait3A_156, %dma_wait3A_157] : memref<10112x128xf32, #tpu.memory_space<vmem_shared>> -> memref<10112x128xf32, #tpu.memory_space<vmem_shared>>
      tpu.wait_indirect_dma semaphore(%arg14 : memref<!tpu.dma_semaphore, #tpu.memory_space<semaphore_mem>>) src(%arg10 : memref<128x128xf32, #tpu.memory_space<vmem>>) dst(%dma_wait3A_158 : memref<10112x128xf32, #tpu.memory_space<vmem_shared>>)
      %dma_start3A_159 = arith.constant 0 : i32
      %dma_start3A_160 = arith.constant 5 : i32
      %dma_start3A_161 = arith.constant 0 : i32
      %dma_start3A_162 = tpu.memref_slice %arg7[%dma_start3A_159, %dma_start3A_160, %dma_start3A_161] : memref<2x8x128xi32, #tpu.memory_space<vmem>> -> memref<1x1x128xi32, #tpu.memory_space<vmem>>
      %dma_start3A_163 = tpu.memref_squeeze %dma_start3A_162 : memref<1x1x128xi32, #tpu.memory_space<vmem>> -> memref<128xi32, #tpu.memory_space<vmem>>
      %dma_start3A_164 = arith.constant 0 : i32
      %dma_start3A_165 = arith.constant 0 : i32
      %dma_start3A_166 = tpu.memref_slice %arg2[%dma_start3A_164, %dma_start3A_165] : memref<10000x128xf32, #tpu.memory_space<hbm>> -> memref<10000x128xf32, #tpu.memory_space<hbm>>
      tpu.enqueue_indirect_dma source(%dma_start3A_166 : memref<10000x128xf32, #tpu.memory_space<hbm>>) target(%arg10 : memref<128x128xf32, #tpu.memory_space<vmem>>) offsets(%dma_start3A_163 : memref<128xi32, #tpu.memory_space<vmem>>) semaphore(%arg12 : memref<!tpu.dma_semaphore, #tpu.memory_space<semaphore_mem>>)
      %dma_wait3A_167 = arith.constant 0 : i32
      %dma_wait3A_168 = arith.constant 4 : i32
      %dma_wait3A_169 = arith.constant 0 : i32
      %dma_wait3A_170 = tpu.memref_slice %arg7[%dma_wait3A_167, %dma_wait3A_168, %dma_wait3A_169] : memref<2x8x128xi32, #tpu.memory_space<vmem>> -> memref<1x1x128xi32, #tpu.memory_space<vmem>>
      %dma_wait3A_171 = tpu.memref_squeeze %dma_wait3A_170 : memref<1x1x128xi32, #tpu.memory_space<vmem>> -> memref<128xi32, #tpu.memory_space<vmem>>
      %dma_wait3A_172 = arith.constant 0 : i32
      %dma_wait3A_173 = arith.constant 0 : i32
      %dma_wait3A_174 = tpu.memref_slice %arg2[%dma_wait3A_172, %dma_wait3A_173] : memref<10000x128xf32, #tpu.memory_space<hbm>> -> memref<10000x128xf32, #tpu.memory_space<hbm>>
      tpu.wait_indirect_dma semaphore(%arg11 : memref<!tpu.dma_semaphore, #tpu.memory_space<semaphore_mem>>) src(%dma_wait3A_174 : memref<10000x128xf32, #tpu.memory_space<hbm>>) dst(%arg9 : memref<128x128xf32, #tpu.memory_space<vmem>>)
      %dma_start3A_175 = arith.constant 0 : i32
      %dma_start3A_176 = arith.constant 4 : i32
      %dma_start3A_177 = arith.constant 0 : i32
      %dma_start3A_178 = tpu.memref_slice %arg8[%dma_start3A_175, %dma_start3A_176, %dma_start3A_177] : memref<2x8x128xi32, #tpu.memory_space<vmem>> -> memref<1x1x128xi32, #tpu.memory_space<vmem>>
      %dma_start3A_179 = tpu.memref_squeeze %dma_start3A_178 : memref<1x1x128xi32, #tpu.memory_space<vmem>> -> memref<128xi32, #tpu.memory_space<vmem>>
      %dma_start3A_180 = arith.constant 0 : i32
      %dma_start3A_181 = arith.constant 0 : i32
      %dma_start3A_182 = tpu.memref_slice %arg17[%dma_start3A_180, %dma_start3A_181] : memref<10112x128xf32, #tpu.memory_space<vmem_shared>> -> memref<10112x128xf32, #tpu.memory_space<vmem_shared>>
      tpu.enqueue_indirect_dma source(%arg9 : memref<128x128xf32, #tpu.memory_space<vmem>>) target(%dma_start3A_182 : memref<10112x128xf32, #tpu.memory_space<vmem_shared>>) offsets(%dma_start3A_179 : memref<128xi32, #tpu.memory_space<vmem>>) semaphore(%arg13 : memref<!tpu.dma_semaphore, #tpu.memory_space<semaphore_mem>>) {add = true}
      %dma_wait3A_183 = arith.constant 0 : i32
      %dma_wait3A_184 = arith.constant 4 : i32
      %dma_wait3A_185 = arith.constant 0 : i32
      %dma_wait3A_186 = tpu.memref_slice %arg8[%dma_wait3A_183, %dma_wait3A_184, %dma_wait3A_185] : memref<2x8x128xi32, #tpu.memory_space<vmem>> -> memref<1x1x128xi32, #tpu.memory_space<vmem>>
      %dma_wait3A_187 = tpu.memref_squeeze %dma_wait3A_186 : memref<1x1x128xi32, #tpu.memory_space<vmem>> -> memref<128xi32, #tpu.memory_space<vmem>>
      %dma_wait3A_188 = arith.constant 0 : i32
      %dma_wait3A_189 = arith.constant 0 : i32
      %dma_wait3A_190 = tpu.memref_slice %arg17[%dma_wait3A_188, %dma_wait3A_189] : memref<10112x128xf32, #tpu.memory_space<vmem_shared>> -> memref<10112x128xf32, #tpu.memory_space<vmem_shared>>
      tpu.wait_indirect_dma semaphore(%arg13 : memref<!tpu.dma_semaphore, #tpu.memory_space<semaphore_mem>>) src(%arg9 : memref<128x128xf32, #tpu.memory_space<vmem>>) dst(%dma_wait3A_190 : memref<10112x128xf32, #tpu.memory_space<vmem_shared>>)
      %dma_start3A_191 = arith.constant 0 : i32
      %dma_start3A_192 = arith.constant 6 : i32
      %dma_start3A_193 = arith.constant 0 : i32
      %dma_start3A_194 = tpu.memref_slice %arg7[%dma_start3A_191, %dma_start3A_192, %dma_start3A_193] : memref<2x8x128xi32, #tpu.memory_space<vmem>> -> memref<1x1x128xi32, #tpu.memory_space<vmem>>
      %dma_start3A_195 = tpu.memref_squeeze %dma_start3A_194 : memref<1x1x128xi32, #tpu.memory_space<vmem>> -> memref<128xi32, #tpu.memory_space<vmem>>
      %dma_start3A_196 = arith.constant 0 : i32
      %dma_start3A_197 = arith.constant 0 : i32
      %dma_start3A_198 = tpu.memref_slice %arg2[%dma_start3A_196, %dma_start3A_197] : memref<10000x128xf32, #tpu.memory_space<hbm>> -> memref<10000x128xf32, #tpu.memory_space<hbm>>
      tpu.enqueue_indirect_dma source(%dma_start3A_198 : memref<10000x128xf32, #tpu.memory_space<hbm>>) target(%arg9 : memref<128x128xf32, #tpu.memory_space<vmem>>) offsets(%dma_start3A_195 : memref<128xi32, #tpu.memory_space<vmem>>) semaphore(%arg11 : memref<!tpu.dma_semaphore, #tpu.memory_space<semaphore_mem>>)
      %dma_wait3A_199 = arith.constant 0 : i32
      %dma_wait3A_200 = arith.constant 5 : i32
      %dma_wait3A_201 = arith.constant 0 : i32
      %dma_wait3A_202 = tpu.memref_slice %arg7[%dma_wait3A_199, %dma_wait3A_200, %dma_wait3A_201] : memref<2x8x128xi32, #tpu.memory_space<vmem>> -> memref<1x1x128xi32, #tpu.memory_space<vmem>>
      %dma_wait3A_203 = tpu.memref_squeeze %dma_wait3A_202 : memref<1x1x128xi32, #tpu.memory_space<vmem>> -> memref<128xi32, #tpu.memory_space<vmem>>
      %dma_wait3A_204 = arith.constant 0 : i32
      %dma_wait3A_205 = arith.constant 0 : i32
      %dma_wait3A_206 = tpu.memref_slice %arg2[%dma_wait3A_204, %dma_wait3A_205] : memref<10000x128xf32, #tpu.memory_space<hbm>> -> memref<10000x128xf32, #tpu.memory_space<hbm>>
      tpu.wait_indirect_dma semaphore(%arg12 : memref<!tpu.dma_semaphore, #tpu.memory_space<semaphore_mem>>) src(%dma_wait3A_206 : memref<10000x128xf32, #tpu.memory_space<hbm>>) dst(%arg10 : memref<128x128xf32, #tpu.memory_space<vmem>>)
      %dma_start3A_207 = arith.constant 0 : i32
      %dma_start3A_208 = arith.constant 5 : i32
      %dma_start3A_209 = arith.constant 0 : i32
      %dma_start3A_210 = tpu.memref_slice %arg8[%dma_start3A_207, %dma_start3A_208, %dma_start3A_209] : memref<2x8x128xi32, #tpu.memory_space<vmem>> -> memref<1x1x128xi32, #tpu.memory_space<vmem>>
      %dma_start3A_211 = tpu.memref_squeeze %dma_start3A_210 : memref<1x1x128xi32, #tpu.memory_space<vmem>> -> memref<128xi32, #tpu.memory_space<vmem>>
      %dma_start3A_212 = arith.constant 0 : i32
      %dma_start3A_213 = arith.constant 0 : i32
      %dma_start3A_214 = tpu.memref_slice %arg17[%dma_start3A_212, %dma_start3A_213] : memref<10112x128xf32, #tpu.memory_space<vmem_shared>> -> memref<10112x128xf32, #tpu.memory_space<vmem_shared>>
      tpu.enqueue_indirect_dma source(%arg10 : memref<128x128xf32, #tpu.memory_space<vmem>>) target(%dma_start3A_214 : memref<10112x128xf32, #tpu.memory_space<vmem_shared>>) offsets(%dma_start3A_211 : memref<128xi32, #tpu.memory_space<vmem>>) semaphore(%arg14 : memref<!tpu.dma_semaphore, #tpu.memory_space<semaphore_mem>>) {add = true}
      %dma_wait3A_215 = arith.constant 0 : i32
      %dma_wait3A_216 = arith.constant 5 : i32
      %dma_wait3A_217 = arith.constant 0 : i32
      %dma_wait3A_218 = tpu.memref_slice %arg8[%dma_wait3A_215, %dma_wait3A_216, %dma_wait3A_217] : memref<2x8x128xi32, #tpu.memory_space<vmem>> -> memref<1x1x128xi32, #tpu.memory_space<vmem>>
      %dma_wait3A_219 = tpu.memref_squeeze %dma_wait3A_218 : memref<1x1x128xi32, #tpu.memory_space<vmem>> -> memref<128xi32, #tpu.memory_space<vmem>>
      %dma_wait3A_220 = arith.constant 0 : i32
      %dma_wait3A_221 = arith.constant 0 : i32
      %dma_wait3A_222 = tpu.memref_slice %arg17[%dma_wait3A_220, %dma_wait3A_221] : memref<10112x128xf32, #tpu.memory_space<vmem_shared>> -> memref<10112x128xf32, #tpu.memory_space<vmem_shared>>
      tpu.wait_indirect_dma semaphore(%arg14 : memref<!tpu.dma_semaphore, #tpu.memory_space<semaphore_mem>>) src(%arg10 : memref<128x128xf32, #tpu.memory_space<vmem>>) dst(%dma_wait3A_222 : memref<10112x128xf32, #tpu.memory_space<vmem_shared>>)
      %dma_start3A_223 = arith.constant 0 : i32
      %dma_start3A_224 = arith.constant 7 : i32
      %dma_start3A_225 = arith.constant 0 : i32
      %dma_start3A_226 = tpu.memref_slice %arg7[%dma_start3A_223, %dma_start3A_224, %dma_start3A_225] : memref<2x8x128xi32, #tpu.memory_space<vmem>> -> memref<1x1x128xi32, #tpu.memory_space<vmem>>
      %dma_start3A_227 = tpu.memref_squeeze %dma_start3A_226 : memref<1x1x128xi32, #tpu.memory_space<vmem>> -> memref<128xi32, #tpu.memory_space<vmem>>
      %dma_start3A_228 = arith.constant 0 : i32
      %dma_start3A_229 = arith.constant 0 : i32
      %dma_start3A_230 = tpu.memref_slice %arg2[%dma_start3A_228, %dma_start3A_229] : memref<10000x128xf32, #tpu.memory_space<hbm>> -> memref<10000x128xf32, #tpu.memory_space<hbm>>
      tpu.enqueue_indirect_dma source(%dma_start3A_230 : memref<10000x128xf32, #tpu.memory_space<hbm>>) target(%arg10 : memref<128x128xf32, #tpu.memory_space<vmem>>) offsets(%dma_start3A_227 : memref<128xi32, #tpu.memory_space<vmem>>) semaphore(%arg12 : memref<!tpu.dma_semaphore, #tpu.memory_space<semaphore_mem>>)
      %dma_wait3A_231 = arith.constant 0 : i32
      %dma_wait3A_232 = arith.constant 6 : i32
      %dma_wait3A_233 = arith.constant 0 : i32
      %dma_wait3A_234 = tpu.memref_slice %arg7[%dma_wait3A_231, %dma_wait3A_232, %dma_wait3A_233] : memref<2x8x128xi32, #tpu.memory_space<vmem>> -> memref<1x1x128xi32, #tpu.memory_space<vmem>>
      %dma_wait3A_235 = tpu.memref_squeeze %dma_wait3A_234 : memref<1x1x128xi32, #tpu.memory_space<vmem>> -> memref<128xi32, #tpu.memory_space<vmem>>
      %dma_wait3A_236 = arith.constant 0 : i32
      %dma_wait3A_237 = arith.constant 0 : i32
      %dma_wait3A_238 = tpu.memref_slice %arg2[%dma_wait3A_236, %dma_wait3A_237] : memref<10000x128xf32, #tpu.memory_space<hbm>> -> memref<10000x128xf32, #tpu.memory_space<hbm>>
      tpu.wait_indirect_dma semaphore(%arg11 : memref<!tpu.dma_semaphore, #tpu.memory_space<semaphore_mem>>) src(%dma_wait3A_238 : memref<10000x128xf32, #tpu.memory_space<hbm>>) dst(%arg9 : memref<128x128xf32, #tpu.memory_space<vmem>>)
      %dma_start3A_239 = arith.constant 0 : i32
      %dma_start3A_240 = arith.constant 6 : i32
      %dma_start3A_241 = arith.constant 0 : i32
      %dma_start3A_242 = tpu.memref_slice %arg8[%dma_start3A_239, %dma_start3A_240, %dma_start3A_241] : memref<2x8x128xi32, #tpu.memory_space<vmem>> -> memref<1x1x128xi32, #tpu.memory_space<vmem>>
      %dma_start3A_243 = tpu.memref_squeeze %dma_start3A_242 : memref<1x1x128xi32, #tpu.memory_space<vmem>> -> memref<128xi32, #tpu.memory_space<vmem>>
      %dma_start3A_244 = arith.constant 0 : i32
      %dma_start3A_245 = arith.constant 0 : i32
      %dma_start3A_246 = tpu.memref_slice %arg17[%dma_start3A_244, %dma_start3A_245] : memref<10112x128xf32, #tpu.memory_space<vmem_shared>> -> memref<10112x128xf32, #tpu.memory_space<vmem_shared>>
      tpu.enqueue_indirect_dma source(%arg9 : memref<128x128xf32, #tpu.memory_space<vmem>>) target(%dma_start3A_246 : memref<10112x128xf32, #tpu.memory_space<vmem_shared>>) offsets(%dma_start3A_243 : memref<128xi32, #tpu.memory_space<vmem>>) semaphore(%arg13 : memref<!tpu.dma_semaphore, #tpu.memory_space<semaphore_mem>>) {add = true}
      %dma_wait3A_247 = arith.constant 0 : i32
      %dma_wait3A_248 = arith.constant 6 : i32
      %dma_wait3A_249 = arith.constant 0 : i32
      %dma_wait3A_250 = tpu.memref_slice %arg8[%dma_wait3A_247, %dma_wait3A_248, %dma_wait3A_249] : memref<2x8x128xi32, #tpu.memory_space<vmem>> -> memref<1x1x128xi32, #tpu.memory_space<vmem>>
      %dma_wait3A_251 = tpu.memref_squeeze %dma_wait3A_250 : memref<1x1x128xi32, #tpu.memory_space<vmem>> -> memref<128xi32, #tpu.memory_space<vmem>>
      %dma_wait3A_252 = arith.constant 0 : i32
      %dma_wait3A_253 = arith.constant 0 : i32
      %dma_wait3A_254 = tpu.memref_slice %arg17[%dma_wait3A_252, %dma_wait3A_253] : memref<10112x128xf32, #tpu.memory_space<vmem_shared>> -> memref<10112x128xf32, #tpu.memory_space<vmem_shared>>
      tpu.wait_indirect_dma semaphore(%arg13 : memref<!tpu.dma_semaphore, #tpu.memory_space<semaphore_mem>>) src(%arg9 : memref<128x128xf32, #tpu.memory_space<vmem>>) dst(%dma_wait3A_254 : memref<10112x128xf32, #tpu.memory_space<vmem_shared>>)
      %add3A_255 = arith.constant 1 : i32
      %add3A_256 = arith.addi %add3A_34, %add3A_255 : i32
      %lt3A_257 = arith.constant 10 : i32
      %lt3A_258 = arith.cmpi slt, %add3A_256, %lt3A_257 : i32
      %convert_element_type3A_259 = arith.extui %lt3A_258 : i1 to i32
      %cond3A_260 = arith.constant 0 : i32
      %cond3A_261 = arith.cmpi ne, %convert_element_type3A_259, %cond3A_260 : i32
      scf.if %cond3A_261 {
        %add3A_572 = arith.constant 1 : i32
        %add3A_573 = arith.addi %add3A_34, %add3A_572 : i32
        %mul3A_574 = arith.constant 8 : i32
        %mul3A_575 = arith.muli %add3A_573, %mul3A_574 : i32
        %multiple_of3A_576 = tpu.assume_multiple %mul3A_575, 8 : i32
        %dma_wait3A_577 = arith.constant 1 : i32
        %dma_wait3A_578 = arith.constant 0 : i32
        %dma_wait3A_579 = arith.constant 0 : i32
        %dma_wait3A_580 = tpu.memref_slice %arg7[%dma_wait3A_577, %dma_wait3A_578, %dma_wait3A_579] : memref<2x8x128xi32, #tpu.memory_space<vmem>> -> memref<1x8x128xi32, #tpu.memory_space<vmem>>
        %dma_wait3A_581 = tpu.memref_squeeze %dma_wait3A_580 : memref<1x8x128xi32, #tpu.memory_space<vmem>> -> memref<8x128xi32, #tpu.memory_space<vmem>>
        %dma_wait3A_582 = arith.constant 0 : i32
        %dma_wait3A_583 = tpu.memref_slice %arg3[%add3A, %multiple_of3A_576, %dma_wait3A_582] : memref<32x80x128xi32, #tpu.memory_space<hbm>> -> memref<1x8x128xi32, #tpu.memory_space<hbm>>
        %dma_wait3A_584 = tpu.memref_squeeze %dma_wait3A_583 : memref<1x8x128xi32, #tpu.memory_space<hbm>> -> memref<8x128xi32, #tpu.memory_space<hbm>>
        %dma_wait3A_585 = arith.constant 0 : i32
        %dma_wait3A_586 = arith.constant 0 : i32
        %dma_wait3A_587 = tpu.memref_slice %arg7[%dma_wait3A_577, %dma_wait3A_585, %dma_wait3A_586] : memref<2x8x128xi32, #tpu.memory_space<vmem>> -> memref<1x8x128xi32, #tpu.memory_space<vmem>>
        %dma_wait3A_588 = tpu.memref_squeeze %dma_wait3A_587 : memref<1x8x128xi32, #tpu.memory_space<vmem>> -> memref<8x128xi32, #tpu.memory_space<vmem>>
        %dma_wait3A_589 = arith.constant 0 : i32
        %dma_wait3A_590 = tpu.memref_slice %arg3[%add3A, %multiple_of3A_576, %dma_wait3A_589] : memref<32x80x128xi32, #tpu.memory_space<hbm>> -> memref<1x8x128xi32, #tpu.memory_space<hbm>>
        %dma_wait3A_591 = tpu.memref_squeeze %dma_wait3A_590 : memref<1x8x128xi32, #tpu.memory_space<hbm>> -> memref<8x128xi32, #tpu.memory_space<hbm>>
        tpu.wait_dma2 semaphore(%arg15 : memref<!tpu.dma_semaphore, #tpu.memory_space<semaphore_mem>>) src(%dma_wait3A_591 : memref<8x128xi32, #tpu.memory_space<hbm>>) dst(%dma_wait3A_588 : memref<8x128xi32, #tpu.memory_space<vmem>>)
        %dma_wait3A_592 = arith.constant 1 : i32
        %dma_wait3A_593 = arith.constant 0 : i32
        %dma_wait3A_594 = arith.constant 0 : i32
        %dma_wait3A_595 = tpu.memref_slice %arg8[%dma_wait3A_592, %dma_wait3A_593, %dma_wait3A_594] : memref<2x8x128xi32, #tpu.memory_space<vmem>> -> memref<1x8x128xi32, #tpu.memory_space<vmem>>
        %dma_wait3A_596 = tpu.memref_squeeze %dma_wait3A_595 : memref<1x8x128xi32, #tpu.memory_space<vmem>> -> memref<8x128xi32, #tpu.memory_space<vmem>>
        %dma_wait3A_597 = arith.constant 0 : i32
        %dma_wait3A_598 = tpu.memref_slice %arg4[%add3A, %multiple_of3A_576, %dma_wait3A_597] : memref<32x80x128xi32, #tpu.memory_space<hbm>> -> memref<1x8x128xi32, #tpu.memory_space<hbm>>
        %dma_wait3A_599 = tpu.memref_squeeze %dma_wait3A_598 : memref<1x8x128xi32, #tpu.memory_space<hbm>> -> memref<8x128xi32, #tpu.memory_space<hbm>>
        %dma_wait3A_600 = arith.constant 0 : i32
        %dma_wait3A_601 = arith.constant 0 : i32
        %dma_wait3A_602 = tpu.memref_slice %arg8[%dma_wait3A_592, %dma_wait3A_600, %dma_wait3A_601] : memref<2x8x128xi32, #tpu.memory_space<vmem>> -> memref<1x8x128xi32, #tpu.memory_space<vmem>>
        %dma_wait3A_603 = tpu.memref_squeeze %dma_wait3A_602 : memref<1x8x128xi32, #tpu.memory_space<vmem>> -> memref<8x128xi32, #tpu.memory_space<vmem>>
        %dma_wait3A_604 = arith.constant 0 : i32
        %dma_wait3A_605 = tpu.memref_slice %arg4[%add3A, %multiple_of3A_576, %dma_wait3A_604] : memref<32x80x128xi32, #tpu.memory_space<hbm>> -> memref<1x8x128xi32, #tpu.memory_space<hbm>>
        %dma_wait3A_606 = tpu.memref_squeeze %dma_wait3A_605 : memref<1x8x128xi32, #tpu.memory_space<hbm>> -> memref<8x128xi32, #tpu.memory_space<hbm>>
        tpu.wait_dma2 semaphore(%arg15 : memref<!tpu.dma_semaphore, #tpu.memory_space<semaphore_mem>>) src(%dma_wait3A_606 : memref<8x128xi32, #tpu.memory_space<hbm>>) dst(%dma_wait3A_603 : memref<8x128xi32, #tpu.memory_space<vmem>>)
      } else {
      }
      %add3A_262 = arith.constant 1 : i32
      %add3A_263 = arith.addi %add3A_34, %add3A_262 : i32
      %lt3A_264 = arith.constant 10 : i32
      %lt3A_265 = arith.cmpi slt, %add3A_263, %lt3A_264 : i32
      %convert_element_type3A_266 = arith.extui %lt3A_265 : i1 to i32
      %cond3A_267 = arith.constant 0 : i32
      %cond3A_268 = arith.cmpi ne, %convert_element_type3A_266, %cond3A_267 : i32
      scf.if %cond3A_268 {
        %dma_start3A_572 = arith.constant 1 : i32
        %dma_start3A_573 = arith.constant 0 : i32
        %dma_start3A_574 = arith.constant 0 : i32
        %dma_start3A_575 = tpu.memref_slice %arg7[%dma_start3A_572, %dma_start3A_573, %dma_start3A_574] : memref<2x8x128xi32, #tpu.memory_space<vmem>> -> memref<1x1x128xi32, #tpu.memory_space<vmem>>
        %dma_start3A_576 = tpu.memref_squeeze %dma_start3A_575 : memref<1x1x128xi32, #tpu.memory_space<vmem>> -> memref<128xi32, #tpu.memory_space<vmem>>
        %dma_start3A_577 = arith.constant 0 : i32
        %dma_start3A_578 = arith.constant 0 : i32
        %dma_start3A_579 = tpu.memref_slice %arg2[%dma_start3A_577, %dma_start3A_578] : memref<10000x128xf32, #tpu.memory_space<hbm>> -> memref<10000x128xf32, #tpu.memory_space<hbm>>
        tpu.enqueue_indirect_dma source(%dma_start3A_579 : memref<10000x128xf32, #tpu.memory_space<hbm>>) target(%arg9 : memref<128x128xf32, #tpu.memory_space<vmem>>) offsets(%dma_start3A_576 : memref<128xi32, #tpu.memory_space<vmem>>) semaphore(%arg11 : memref<!tpu.dma_semaphore, #tpu.memory_space<semaphore_mem>>)
      } else {
      }
      %dma_wait3A_269 = arith.constant 0 : i32
      %dma_wait3A_270 = arith.constant 7 : i32
      %dma_wait3A_271 = arith.constant 0 : i32
      %dma_wait3A_272 = tpu.memref_slice %arg7[%dma_wait3A_269, %dma_wait3A_270, %dma_wait3A_271] : memref<2x8x128xi32, #tpu.memory_space<vmem>> -> memref<1x1x128xi32, #tpu.memory_space<vmem>>
      %dma_wait3A_273 = tpu.memref_squeeze %dma_wait3A_272 : memref<1x1x128xi32, #tpu.memory_space<vmem>> -> memref<128xi32, #tpu.memory_space<vmem>>
      %dma_wait3A_274 = arith.constant 0 : i32
      %dma_wait3A_275 = arith.constant 0 : i32
      %dma_wait3A_276 = tpu.memref_slice %arg2[%dma_wait3A_274, %dma_wait3A_275] : memref<10000x128xf32, #tpu.memory_space<hbm>> -> memref<10000x128xf32, #tpu.memory_space<hbm>>
      tpu.wait_indirect_dma semaphore(%arg12 : memref<!tpu.dma_semaphore, #tpu.memory_space<semaphore_mem>>) src(%dma_wait3A_276 : memref<10000x128xf32, #tpu.memory_space<hbm>>) dst(%arg10 : memref<128x128xf32, #tpu.memory_space<vmem>>)
      %dma_start3A_277 = arith.constant 0 : i32
      %dma_start3A_278 = arith.constant 7 : i32
      %dma_start3A_279 = arith.constant 0 : i32
      %dma_start3A_280 = tpu.memref_slice %arg8[%dma_start3A_277, %dma_start3A_278, %dma_start3A_279] : memref<2x8x128xi32, #tpu.memory_space<vmem>> -> memref<1x1x128xi32, #tpu.memory_space<vmem>>
      %dma_start3A_281 = tpu.memref_squeeze %dma_start3A_280 : memref<1x1x128xi32, #tpu.memory_space<vmem>> -> memref<128xi32, #tpu.memory_space<vmem>>
      %dma_start3A_282 = arith.constant 0 : i32
      %dma_start3A_283 = arith.constant 0 : i32
      %dma_start3A_284 = tpu.memref_slice %arg17[%dma_start3A_282, %dma_start3A_283] : memref<10112x128xf32, #tpu.memory_space<vmem_shared>> -> memref<10112x128xf32, #tpu.memory_space<vmem_shared>>
      tpu.enqueue_indirect_dma source(%arg10 : memref<128x128xf32, #tpu.memory_space<vmem>>) target(%dma_start3A_284 : memref<10112x128xf32, #tpu.memory_space<vmem_shared>>) offsets(%dma_start3A_281 : memref<128xi32, #tpu.memory_space<vmem>>) semaphore(%arg14 : memref<!tpu.dma_semaphore, #tpu.memory_space<semaphore_mem>>) {add = true}
      %dma_wait3A_285 = arith.constant 0 : i32
      %dma_wait3A_286 = arith.constant 7 : i32
      %dma_wait3A_287 = arith.constant 0 : i32
      %dma_wait3A_288 = tpu.memref_slice %arg8[%dma_wait3A_285, %dma_wait3A_286, %dma_wait3A_287] : memref<2x8x128xi32, #tpu.memory_space<vmem>> -> memref<1x1x128xi32, #tpu.memory_space<vmem>>
      %dma_wait3A_289 = tpu.memref_squeeze %dma_wait3A_288 : memref<1x1x128xi32, #tpu.memory_space<vmem>> -> memref<128xi32, #tpu.memory_space<vmem>>
      %dma_wait3A_290 = arith.constant 0 : i32
      %dma_wait3A_291 = arith.constant 0 : i32
      %dma_wait3A_292 = tpu.memref_slice %arg17[%dma_wait3A_290, %dma_wait3A_291] : memref<10112x128xf32, #tpu.memory_space<vmem_shared>> -> memref<10112x128xf32, #tpu.memory_space<vmem_shared>>
      tpu.wait_indirect_dma semaphore(%arg14 : memref<!tpu.dma_semaphore, #tpu.memory_space<semaphore_mem>>) src(%arg10 : memref<128x128xf32, #tpu.memory_space<vmem>>) dst(%dma_wait3A_292 : memref<10112x128xf32, #tpu.memory_space<vmem_shared>>)
      %add3A_293 = arith.constant 1 : i32
      %add3A_294 = arith.addi %add3A_34, %add3A_293 : i32
      %lt3A_295 = arith.constant 10 : i32
      %lt3A_296 = arith.cmpi slt, %add3A_294, %lt3A_295 : i32
      %convert_element_type3A_297 = arith.extui %lt3A_296 : i1 to i32
      %cond3A_298 = arith.constant 0 : i32
      %cond3A_299 = arith.cmpi ne, %convert_element_type3A_297, %cond3A_298 : i32
      scf.if %cond3A_299 {
        %dma_start3A_572 = arith.constant 1 : i32
        %dma_start3A_573 = arith.constant 1 : i32
        %dma_start3A_574 = arith.constant 0 : i32
        %dma_start3A_575 = tpu.memref_slice %arg7[%dma_start3A_572, %dma_start3A_573, %dma_start3A_574] : memref<2x8x128xi32, #tpu.memory_space<vmem>> -> memref<1x1x128xi32, #tpu.memory_space<vmem>>
        %dma_start3A_576 = tpu.memref_squeeze %dma_start3A_575 : memref<1x1x128xi32, #tpu.memory_space<vmem>> -> memref<128xi32, #tpu.memory_space<vmem>>
        %dma_start3A_577 = arith.constant 0 : i32
        %dma_start3A_578 = arith.constant 0 : i32
        %dma_start3A_579 = tpu.memref_slice %arg2[%dma_start3A_577, %dma_start3A_578] : memref<10000x128xf32, #tpu.memory_space<hbm>> -> memref<10000x128xf32, #tpu.memory_space<hbm>>
        tpu.enqueue_indirect_dma source(%dma_start3A_579 : memref<10000x128xf32, #tpu.memory_space<hbm>>) target(%arg10 : memref<128x128xf32, #tpu.memory_space<vmem>>) offsets(%dma_start3A_576 : memref<128xi32, #tpu.memory_space<vmem>>) semaphore(%arg12 : memref<!tpu.dma_semaphore, #tpu.memory_space<semaphore_mem>>)
      } else {
      }
      %mul3A_300 = arith.constant 2 : i32
      %mul3A_301 = arith.muli %scan3A_30, %mul3A_300 : i32
      %add3A_302 = arith.constant 1 : i32
      %add3A_303 = arith.addi %mul3A_301, %add3A_302 : i32
      %add3A_304 = arith.constant 1 : i32
      %add3A_305 = arith.addi %add3A_303, %add3A_304 : i32
      %lt3A_306 = arith.constant 10 : i32
      %lt3A_307 = arith.cmpi slt, %add3A_305, %lt3A_306 : i32
      %convert_element_type3A_308 = arith.extui %lt3A_307 : i1 to i32
      %cond3A_309 = arith.constant 0 : i32
      %cond3A_310 = arith.cmpi ne, %convert_element_type3A_308, %cond3A_309 : i32
      scf.if %cond3A_310 {
        %add3A_572 = arith.constant 1 : i32
        %add3A_573 = arith.addi %add3A_303, %add3A_572 : i32
        %mul3A_574 = arith.constant 8 : i32
        %mul3A_575 = arith.muli %add3A_573, %mul3A_574 : i32
        %multiple_of3A_576 = tpu.assume_multiple %mul3A_575, 8 : i32
        %dma_start3A_577 = arith.constant 0 : i32
        %dma_start3A_578 = arith.constant 0 : i32
        %dma_start3A_579 = arith.constant 0 : i32
        %dma_start3A_580 = tpu.memref_slice %arg7[%dma_start3A_577, %dma_start3A_578, %dma_start3A_579] : memref<2x8x128xi32, #tpu.memory_space<vmem>> -> memref<1x8x128xi32, #tpu.memory_space<vmem>>
        %dma_start3A_581 = tpu.memref_squeeze %dma_start3A_580 : memref<1x8x128xi32, #tpu.memory_space<vmem>> -> memref<8x128xi32, #tpu.memory_space<vmem>>
        %dma_start3A_582 = arith.constant 0 : i32
        %dma_start3A_583 = tpu.memref_slice %arg3[%add3A, %multiple_of3A_576, %dma_start3A_582] : memref<32x80x128xi32, #tpu.memory_space<hbm>> -> memref<1x8x128xi32, #tpu.memory_space<hbm>>
        %dma_start3A_584 = tpu.memref_squeeze %dma_start3A_583 : memref<1x8x128xi32, #tpu.memory_space<hbm>> -> memref<8x128xi32, #tpu.memory_space<hbm>>
        %dma_start3A_585 = arith.constant 0 : i32
        %dma_start3A_586 = arith.constant 0 : i32
        %dma_start3A_587 = tpu.memref_slice %arg7[%dma_start3A_577, %dma_start3A_585, %dma_start3A_586] : memref<2x8x128xi32, #tpu.memory_space<vmem>> -> memref<1x8x128xi32, #tpu.memory_space<vmem>>
        %dma_start3A_588 = tpu.memref_squeeze %dma_start3A_587 : memref<1x8x128xi32, #tpu.memory_space<vmem>> -> memref<8x128xi32, #tpu.memory_space<vmem>>
        %dma_start3A_589 = arith.constant 0 : i32
        %dma_start3A_590 = tpu.memref_slice %arg3[%add3A, %multiple_of3A_576, %dma_start3A_589] : memref<32x80x128xi32, #tpu.memory_space<hbm>> -> memref<1x8x128xi32, #tpu.memory_space<hbm>>
        %dma_start3A_591 = tpu.memref_squeeze %dma_start3A_590 : memref<1x8x128xi32, #tpu.memory_space<hbm>> -> memref<8x128xi32, #tpu.memory_space<hbm>>
        tpu.enqueue_dma source(%dma_start3A_591 : memref<8x128xi32, #tpu.memory_space<hbm>>) target(%dma_start3A_588 : memref<8x128xi32, #tpu.memory_space<vmem>>) target_semaphore(%arg15 : memref<!tpu.dma_semaphore, #tpu.memory_space<semaphore_mem>>)
        %dma_start3A_592 = arith.constant 0 : i32
        %dma_start3A_593 = arith.constant 0 : i32
        %dma_start3A_594 = arith.constant 0 : i32
        %dma_start3A_595 = tpu.memref_slice %arg8[%dma_start3A_592, %dma_start3A_593, %dma_start3A_594] : memref<2x8x128xi32, #tpu.memory_space<vmem>> -> memref<1x8x128xi32, #tpu.memory_space<vmem>>
        %dma_start3A_596 = tpu.memref_squeeze %dma_start3A_595 : memref<1x8x128xi32, #tpu.memory_space<vmem>> -> memref<8x128xi32, #tpu.memory_space<vmem>>
        %dma_start3A_597 = arith.constant 0 : i32
        %dma_start3A_598 = tpu.memref_slice %arg4[%add3A, %multiple_of3A_576, %dma_start3A_597] : memref<32x80x128xi32, #tpu.memory_space<hbm>> -> memref<1x8x128xi32, #tpu.memory_space<hbm>>
        %dma_start3A_599 = tpu.memref_squeeze %dma_start3A_598 : memref<1x8x128xi32, #tpu.memory_space<hbm>> -> memref<8x128xi32, #tpu.memory_space<hbm>>
        %dma_start3A_600 = arith.constant 0 : i32
        %dma_start3A_601 = arith.constant 0 : i32
        %dma_start3A_602 = tpu.memref_slice %arg8[%dma_start3A_592, %dma_start3A_600, %dma_start3A_601] : memref<2x8x128xi32, #tpu.memory_space<vmem>> -> memref<1x8x128xi32, #tpu.memory_space<vmem>>
        %dma_start3A_603 = tpu.memref_squeeze %dma_start3A_602 : memref<1x8x128xi32, #tpu.memory_space<vmem>> -> memref<8x128xi32, #tpu.memory_space<vmem>>
        %dma_start3A_604 = arith.constant 0 : i32
        %dma_start3A_605 = tpu.memref_slice %arg4[%add3A, %multiple_of3A_576, %dma_start3A_604] : memref<32x80x128xi32, #tpu.memory_space<hbm>> -> memref<1x8x128xi32, #tpu.memory_space<hbm>>
        %dma_start3A_606 = tpu.memref_squeeze %dma_start3A_605 : memref<1x8x128xi32, #tpu.memory_space<hbm>> -> memref<8x128xi32, #tpu.memory_space<hbm>>
        tpu.enqueue_dma source(%dma_start3A_606 : memref<8x128xi32, #tpu.memory_space<hbm>>) target(%dma_start3A_603 : memref<8x128xi32, #tpu.memory_space<vmem>>) target_semaphore(%arg15 : memref<!tpu.dma_semaphore, #tpu.memory_space<semaphore_mem>>)
      } else {
      }
      %dma_wait3A_311 = arith.constant 1 : i32
      %dma_wait3A_312 = arith.constant 0 : i32
      %dma_wait3A_313 = arith.constant 0 : i32
      %dma_wait3A_314 = tpu.memref_slice %arg7[%dma_wait3A_311, %dma_wait3A_312, %dma_wait3A_313] : memref<2x8x128xi32, #tpu.memory_space<vmem>> -> memref<1x1x128xi32, #tpu.memory_space<vmem>>
      %dma_wait3A_315 = tpu.memref_squeeze %dma_wait3A_314 : memref<1x1x128xi32, #tpu.memory_space<vmem>> -> memref<128xi32, #tpu.memory_space<vmem>>
      %dma_wait3A_316 = arith.constant 0 : i32
      %dma_wait3A_317 = arith.constant 0 : i32
      %dma_wait3A_318 = tpu.memref_slice %arg2[%dma_wait3A_316, %dma_wait3A_317] : memref<10000x128xf32, #tpu.memory_space<hbm>> -> memref<10000x128xf32, #tpu.memory_space<hbm>>
      tpu.wait_indirect_dma semaphore(%arg11 : memref<!tpu.dma_semaphore, #tpu.memory_space<semaphore_mem>>) src(%dma_wait3A_318 : memref<10000x128xf32, #tpu.memory_space<hbm>>) dst(%arg9 : memref<128x128xf32, #tpu.memory_space<vmem>>)
      %dma_start3A_319 = arith.constant 1 : i32
      %dma_start3A_320 = arith.constant 0 : i32
      %dma_start3A_321 = arith.constant 0 : i32
      %dma_start3A_322 = tpu.memref_slice %arg8[%dma_start3A_319, %dma_start3A_320, %dma_start3A_321] : memref<2x8x128xi32, #tpu.memory_space<vmem>> -> memref<1x1x128xi32, #tpu.memory_space<vmem>>
      %dma_start3A_323 = tpu.memref_squeeze %dma_start3A_322 : memref<1x1x128xi32, #tpu.memory_space<vmem>> -> memref<128xi32, #tpu.memory_space<vmem>>
      %dma_start3A_324 = arith.constant 0 : i32
      %dma_start3A_325 = arith.constant 0 : i32
      %dma_start3A_326 = tpu.memref_slice %arg17[%dma_start3A_324, %dma_start3A_325] : memref<10112x128xf32, #tpu.memory_space<vmem_shared>> -> memref<10112x128xf32, #tpu.memory_space<vmem_shared>>
      tpu.enqueue_indirect_dma source(%arg9 : memref<128x128xf32, #tpu.memory_space<vmem>>) target(%dma_start3A_326 : memref<10112x128xf32, #tpu.memory_space<vmem_shared>>) offsets(%dma_start3A_323 : memref<128xi32, #tpu.memory_space<vmem>>) semaphore(%arg13 : memref<!tpu.dma_semaphore, #tpu.memory_space<semaphore_mem>>) {add = true}
      %dma_wait3A_327 = arith.constant 1 : i32
      %dma_wait3A_328 = arith.constant 0 : i32
      %dma_wait3A_329 = arith.constant 0 : i32
      %dma_wait3A_330 = tpu.memref_slice %arg8[%dma_wait3A_327, %dma_wait3A_328, %dma_wait3A_329] : memref<2x8x128xi32, #tpu.memory_space<vmem>> -> memref<1x1x128xi32, #tpu.memory_space<vmem>>
      %dma_wait3A_331 = tpu.memref_squeeze %dma_wait3A_330 : memref<1x1x128xi32, #tpu.memory_space<vmem>> -> memref<128xi32, #tpu.memory_space<vmem>>
      %dma_wait3A_332 = arith.constant 0 : i32
      %dma_wait3A_333 = arith.constant 0 : i32
      %dma_wait3A_334 = tpu.memref_slice %arg17[%dma_wait3A_332, %dma_wait3A_333] : memref<10112x128xf32, #tpu.memory_space<vmem_shared>> -> memref<10112x128xf32, #tpu.memory_space<vmem_shared>>
      tpu.wait_indirect_dma semaphore(%arg13 : memref<!tpu.dma_semaphore, #tpu.memory_space<semaphore_mem>>) src(%arg9 : memref<128x128xf32, #tpu.memory_space<vmem>>) dst(%dma_wait3A_334 : memref<10112x128xf32, #tpu.memory_space<vmem_shared>>)
      %dma_start3A_335 = arith.constant 1 : i32
      %dma_start3A_336 = arith.constant 2 : i32
      %dma_start3A_337 = arith.constant 0 : i32
      %dma_start3A_338 = tpu.memref_slice %arg7[%dma_start3A_335, %dma_start3A_336, %dma_start3A_337] : memref<2x8x128xi32, #tpu.memory_space<vmem>> -> memref<1x1x128xi32, #tpu.memory_space<vmem>>
      %dma_start3A_339 = tpu.memref_squeeze %dma_start3A_338 : memref<1x1x128xi32, #tpu.memory_space<vmem>> -> memref<128xi32, #tpu.memory_space<vmem>>
      %dma_start3A_340 = arith.constant 0 : i32
      %dma_start3A_341 = arith.constant 0 : i32
      %dma_start3A_342 = tpu.memref_slice %arg2[%dma_start3A_340, %dma_start3A_341] : memref<10000x128xf32, #tpu.memory_space<hbm>> -> memref<10000x128xf32, #tpu.memory_space<hbm>>
      tpu.enqueue_indirect_dma source(%dma_start3A_342 : memref<10000x128xf32, #tpu.memory_space<hbm>>) target(%arg9 : memref<128x128xf32, #tpu.memory_space<vmem>>) offsets(%dma_start3A_339 : memref<128xi32, #tpu.memory_space<vmem>>) semaphore(%arg11 : memref<!tpu.dma_semaphore, #tpu.memory_space<semaphore_mem>>)
      %dma_wait3A_343 = arith.constant 1 : i32
      %dma_wait3A_344 = arith.constant 1 : i32
      %dma_wait3A_345 = arith.constant 0 : i32
      %dma_wait3A_346 = tpu.memref_slice %arg7[%dma_wait3A_343, %dma_wait3A_344, %dma_wait3A_345] : memref<2x8x128xi32, #tpu.memory_space<vmem>> -> memref<1x1x128xi32, #tpu.memory_space<vmem>>
      %dma_wait3A_347 = tpu.memref_squeeze %dma_wait3A_346 : memref<1x1x128xi32, #tpu.memory_space<vmem>> -> memref<128xi32, #tpu.memory_space<vmem>>
      %dma_wait3A_348 = arith.constant 0 : i32
      %dma_wait3A_349 = arith.constant 0 : i32
      %dma_wait3A_350 = tpu.memref_slice %arg2[%dma_wait3A_348, %dma_wait3A_349] : memref<10000x128xf32, #tpu.memory_space<hbm>> -> memref<10000x128xf32, #tpu.memory_space<hbm>>
      tpu.wait_indirect_dma semaphore(%arg12 : memref<!tpu.dma_semaphore, #tpu.memory_space<semaphore_mem>>) src(%dma_wait3A_350 : memref<10000x128xf32, #tpu.memory_space<hbm>>) dst(%arg10 : memref<128x128xf32, #tpu.memory_space<vmem>>)
      %dma_start3A_351 = arith.constant 1 : i32
      %dma_start3A_352 = arith.constant 1 : i32
      %dma_start3A_353 = arith.constant 0 : i32
      %dma_start3A_354 = tpu.memref_slice %arg8[%dma_start3A_351, %dma_start3A_352, %dma_start3A_353] : memref<2x8x128xi32, #tpu.memory_space<vmem>> -> memref<1x1x128xi32, #tpu.memory_space<vmem>>
      %dma_start3A_355 = tpu.memref_squeeze %dma_start3A_354 : memref<1x1x128xi32, #tpu.memory_space<vmem>> -> memref<128xi32, #tpu.memory_space<vmem>>
      %dma_start3A_356 = arith.constant 0 : i32
      %dma_start3A_357 = arith.constant 0 : i32
      %dma_start3A_358 = tpu.memref_slice %arg17[%dma_start3A_356, %dma_start3A_357] : memref<10112x128xf32, #tpu.memory_space<vmem_shared>> -> memref<10112x128xf32, #tpu.memory_space<vmem_shared>>
      tpu.enqueue_indirect_dma source(%arg10 : memref<128x128xf32, #tpu.memory_space<vmem>>) target(%dma_start3A_358 : memref<10112x128xf32, #tpu.memory_space<vmem_shared>>) offsets(%dma_start3A_355 : memref<128xi32, #tpu.memory_space<vmem>>) semaphore(%arg14 : memref<!tpu.dma_semaphore, #tpu.memory_space<semaphore_mem>>) {add = true}
      %dma_wait3A_359 = arith.constant 1 : i32
      %dma_wait3A_360 = arith.constant 1 : i32
      %dma_wait3A_361 = arith.constant 0 : i32
      %dma_wait3A_362 = tpu.memref_slice %arg8[%dma_wait3A_359, %dma_wait3A_360, %dma_wait3A_361] : memref<2x8x128xi32, #tpu.memory_space<vmem>> -> memref<1x1x128xi32, #tpu.memory_space<vmem>>
      %dma_wait3A_363 = tpu.memref_squeeze %dma_wait3A_362 : memref<1x1x128xi32, #tpu.memory_space<vmem>> -> memref<128xi32, #tpu.memory_space<vmem>>
      %dma_wait3A_364 = arith.constant 0 : i32
      %dma_wait3A_365 = arith.constant 0 : i32
      %dma_wait3A_366 = tpu.memref_slice %arg17[%dma_wait3A_364, %dma_wait3A_365] : memref<10112x128xf32, #tpu.memory_space<vmem_shared>> -> memref<10112x128xf32, #tpu.memory_space<vmem_shared>>
      tpu.wait_indirect_dma semaphore(%arg14 : memref<!tpu.dma_semaphore, #tpu.memory_space<semaphore_mem>>) src(%arg10 : memref<128x128xf32, #tpu.memory_space<vmem>>) dst(%dma_wait3A_366 : memref<10112x128xf32, #tpu.memory_space<vmem_shared>>)
      %dma_start3A_367 = arith.constant 1 : i32
      %dma_start3A_368 = arith.constant 3 : i32
      %dma_start3A_369 = arith.constant 0 : i32
      %dma_start3A_370 = tpu.memref_slice %arg7[%dma_start3A_367, %dma_start3A_368, %dma_start3A_369] : memref<2x8x128xi32, #tpu.memory_space<vmem>> -> memref<1x1x128xi32, #tpu.memory_space<vmem>>
      %dma_start3A_371 = tpu.memref_squeeze %dma_start3A_370 : memref<1x1x128xi32, #tpu.memory_space<vmem>> -> memref<128xi32, #tpu.memory_space<vmem>>
      %dma_start3A_372 = arith.constant 0 : i32
      %dma_start3A_373 = arith.constant 0 : i32
      %dma_start3A_374 = tpu.memref_slice %arg2[%dma_start3A_372, %dma_start3A_373] : memref<10000x128xf32, #tpu.memory_space<hbm>> -> memref<10000x128xf32, #tpu.memory_space<hbm>>
      tpu.enqueue_indirect_dma source(%dma_start3A_374 : memref<10000x128xf32, #tpu.memory_space<hbm>>) target(%arg10 : memref<128x128xf32, #tpu.memory_space<vmem>>) offsets(%dma_start3A_371 : memref<128xi32, #tpu.memory_space<vmem>>) semaphore(%arg12 : memref<!tpu.dma_semaphore, #tpu.memory_space<semaphore_mem>>)
      %dma_wait3A_375 = arith.constant 1 : i32
      %dma_wait3A_376 = arith.constant 2 : i32
      %dma_wait3A_377 = arith.constant 0 : i32
      %dma_wait3A_378 = tpu.memref_slice %arg7[%dma_wait3A_375, %dma_wait3A_376, %dma_wait3A_377] : memref<2x8x128xi32, #tpu.memory_space<vmem>> -> memref<1x1x128xi32, #tpu.memory_space<vmem>>
      %dma_wait3A_379 = tpu.memref_squeeze %dma_wait3A_378 : memref<1x1x128xi32, #tpu.memory_space<vmem>> -> memref<128xi32, #tpu.memory_space<vmem>>
      %dma_wait3A_380 = arith.constant 0 : i32
      %dma_wait3A_381 = arith.constant 0 : i32
      %dma_wait3A_382 = tpu.memref_slice %arg2[%dma_wait3A_380, %dma_wait3A_381] : memref<10000x128xf32, #tpu.memory_space<hbm>> -> memref<10000x128xf32, #tpu.memory_space<hbm>>
      tpu.wait_indirect_dma semaphore(%arg11 : memref<!tpu.dma_semaphore, #tpu.memory_space<semaphore_mem>>) src(%dma_wait3A_382 : memref<10000x128xf32, #tpu.memory_space<hbm>>) dst(%arg9 : memref<128x128xf32, #tpu.memory_space<vmem>>)
      %dma_start3A_383 = arith.constant 1 : i32
      %dma_start3A_384 = arith.constant 2 : i32
      %dma_start3A_385 = arith.constant 0 : i32
      %dma_start3A_386 = tpu.memref_slice %arg8[%dma_start3A_383, %dma_start3A_384, %dma_start3A_385] : memref<2x8x128xi32, #tpu.memory_space<vmem>> -> memref<1x1x128xi32, #tpu.memory_space<vmem>>
      %dma_start3A_387 = tpu.memref_squeeze %dma_start3A_386 : memref<1x1x128xi32, #tpu.memory_space<vmem>> -> memref<128xi32, #tpu.memory_space<vmem>>
      %dma_start3A_388 = arith.constant 0 : i32
      %dma_start3A_389 = arith.constant 0 : i32
      %dma_start3A_390 = tpu.memref_slice %arg17[%dma_start3A_388, %dma_start3A_389] : memref<10112x128xf32, #tpu.memory_space<vmem_shared>> -> memref<10112x128xf32, #tpu.memory_space<vmem_shared>>
      tpu.enqueue_indirect_dma source(%arg9 : memref<128x128xf32, #tpu.memory_space<vmem>>) target(%dma_start3A_390 : memref<10112x128xf32, #tpu.memory_space<vmem_shared>>) offsets(%dma_start3A_387 : memref<128xi32, #tpu.memory_space<vmem>>) semaphore(%arg13 : memref<!tpu.dma_semaphore, #tpu.memory_space<semaphore_mem>>) {add = true}
      %dma_wait3A_391 = arith.constant 1 : i32
      %dma_wait3A_392 = arith.constant 2 : i32
      %dma_wait3A_393 = arith.constant 0 : i32
      %dma_wait3A_394 = tpu.memref_slice %arg8[%dma_wait3A_391, %dma_wait3A_392, %dma_wait3A_393] : memref<2x8x128xi32, #tpu.memory_space<vmem>> -> memref<1x1x128xi32, #tpu.memory_space<vmem>>
      %dma_wait3A_395 = tpu.memref_squeeze %dma_wait3A_394 : memref<1x1x128xi32, #tpu.memory_space<vmem>> -> memref<128xi32, #tpu.memory_space<vmem>>
      %dma_wait3A_396 = arith.constant 0 : i32
      %dma_wait3A_397 = arith.constant 0 : i32
      %dma_wait3A_398 = tpu.memref_slice %arg17[%dma_wait3A_396, %dma_wait3A_397] : memref<10112x128xf32, #tpu.memory_space<vmem_shared>> -> memref<10112x128xf32, #tpu.memory_space<vmem_shared>>
      tpu.wait_indirect_dma semaphore(%arg13 : memref<!tpu.dma_semaphore, #tpu.memory_space<semaphore_mem>>) src(%arg9 : memref<128x128xf32, #tpu.memory_space<vmem>>) dst(%dma_wait3A_398 : memref<10112x128xf32, #tpu.memory_space<vmem_shared>>)
      %dma_start3A_399 = arith.constant 1 : i32
      %dma_start3A_400 = arith.constant 4 : i32
      %dma_start3A_401 = arith.constant 0 : i32
      %dma_start3A_402 = tpu.memref_slice %arg7[%dma_start3A_399, %dma_start3A_400, %dma_start3A_401] : memref<2x8x128xi32, #tpu.memory_space<vmem>> -> memref<1x1x128xi32, #tpu.memory_space<vmem>>
      %dma_start3A_403 = tpu.memref_squeeze %dma_start3A_402 : memref<1x1x128xi32, #tpu.memory_space<vmem>> -> memref<128xi32, #tpu.memory_space<vmem>>
      %dma_start3A_404 = arith.constant 0 : i32
      %dma_start3A_405 = arith.constant 0 : i32
      %dma_start3A_406 = tpu.memref_slice %arg2[%dma_start3A_404, %dma_start3A_405] : memref<10000x128xf32, #tpu.memory_space<hbm>> -> memref<10000x128xf32, #tpu.memory_space<hbm>>
      tpu.enqueue_indirect_dma source(%dma_start3A_406 : memref<10000x128xf32, #tpu.memory_space<hbm>>) target(%arg9 : memref<128x128xf32, #tpu.memory_space<vmem>>) offsets(%dma_start3A_403 : memref<128xi32, #tpu.memory_space<vmem>>) semaphore(%arg11 : memref<!tpu.dma_semaphore, #tpu.memory_space<semaphore_mem>>)
      %dma_wait3A_407 = arith.constant 1 : i32
      %dma_wait3A_408 = arith.constant 3 : i32
      %dma_wait3A_409 = arith.constant 0 : i32
      %dma_wait3A_410 = tpu.memref_slice %arg7[%dma_wait3A_407, %dma_wait3A_408, %dma_wait3A_409] : memref<2x8x128xi32, #tpu.memory_space<vmem>> -> memref<1x1x128xi32, #tpu.memory_space<vmem>>
      %dma_wait3A_411 = tpu.memref_squeeze %dma_wait3A_410 : memref<1x1x128xi32, #tpu.memory_space<vmem>> -> memref<128xi32, #tpu.memory_space<vmem>>
      %dma_wait3A_412 = arith.constant 0 : i32
      %dma_wait3A_413 = arith.constant 0 : i32
      %dma_wait3A_414 = tpu.memref_slice %arg2[%dma_wait3A_412, %dma_wait3A_413] : memref<10000x128xf32, #tpu.memory_space<hbm>> -> memref<10000x128xf32, #tpu.memory_space<hbm>>
      tpu.wait_indirect_dma semaphore(%arg12 : memref<!tpu.dma_semaphore, #tpu.memory_space<semaphore_mem>>) src(%dma_wait3A_414 : memref<10000x128xf32, #tpu.memory_space<hbm>>) dst(%arg10 : memref<128x128xf32, #tpu.memory_space<vmem>>)
      %dma_start3A_415 = arith.constant 1 : i32
      %dma_start3A_416 = arith.constant 3 : i32
      %dma_start3A_417 = arith.constant 0 : i32
      %dma_start3A_418 = tpu.memref_slice %arg8[%dma_start3A_415, %dma_start3A_416, %dma_start3A_417] : memref<2x8x128xi32, #tpu.memory_space<vmem>> -> memref<1x1x128xi32, #tpu.memory_space<vmem>>
      %dma_start3A_419 = tpu.memref_squeeze %dma_start3A_418 : memref<1x1x128xi32, #tpu.memory_space<vmem>> -> memref<128xi32, #tpu.memory_space<vmem>>
      %dma_start3A_420 = arith.constant 0 : i32
      %dma_start3A_421 = arith.constant 0 : i32
      %dma_start3A_422 = tpu.memref_slice %arg17[%dma_start3A_420, %dma_start3A_421] : memref<10112x128xf32, #tpu.memory_space<vmem_shared>> -> memref<10112x128xf32, #tpu.memory_space<vmem_shared>>
      tpu.enqueue_indirect_dma source(%arg10 : memref<128x128xf32, #tpu.memory_space<vmem>>) target(%dma_start3A_422 : memref<10112x128xf32, #tpu.memory_space<vmem_shared>>) offsets(%dma_start3A_419 : memref<128xi32, #tpu.memory_space<vmem>>) semaphore(%arg14 : memref<!tpu.dma_semaphore, #tpu.memory_space<semaphore_mem>>) {add = true}
      %dma_wait3A_423 = arith.constant 1 : i32
      %dma_wait3A_424 = arith.constant 3 : i32
      %dma_wait3A_425 = arith.constant 0 : i32
      %dma_wait3A_426 = tpu.memref_slice %arg8[%dma_wait3A_423, %dma_wait3A_424, %dma_wait3A_425] : memref<2x8x128xi32, #tpu.memory_space<vmem>> -> memref<1x1x128xi32, #tpu.memory_space<vmem>>
      %dma_wait3A_427 = tpu.memref_squeeze %dma_wait3A_426 : memref<1x1x128xi32, #tpu.memory_space<vmem>> -> memref<128xi32, #tpu.memory_space<vmem>>
      %dma_wait3A_428 = arith.constant 0 : i32
      %dma_wait3A_429 = arith.constant 0 : i32
      %dma_wait3A_430 = tpu.memref_slice %arg17[%dma_wait3A_428, %dma_wait3A_429] : memref<10112x128xf32, #tpu.memory_space<vmem_shared>> -> memref<10112x128xf32, #tpu.memory_space<vmem_shared>>
      tpu.wait_indirect_dma semaphore(%arg14 : memref<!tpu.dma_semaphore, #tpu.memory_space<semaphore_mem>>) src(%arg10 : memref<128x128xf32, #tpu.memory_space<vmem>>) dst(%dma_wait3A_430 : memref<10112x128xf32, #tpu.memory_space<vmem_shared>>)
      %dma_start3A_431 = arith.constant 1 : i32
      %dma_start3A_432 = arith.constant 5 : i32
      %dma_start3A_433 = arith.constant 0 : i32
      %dma_start3A_434 = tpu.memref_slice %arg7[%dma_start3A_431, %dma_start3A_432, %dma_start3A_433] : memref<2x8x128xi32, #tpu.memory_space<vmem>> -> memref<1x1x128xi32, #tpu.memory_space<vmem>>
      %dma_start3A_435 = tpu.memref_squeeze %dma_start3A_434 : memref<1x1x128xi32, #tpu.memory_space<vmem>> -> memref<128xi32, #tpu.memory_space<vmem>>
      %dma_start3A_436 = arith.constant 0 : i32
      %dma_start3A_437 = arith.constant 0 : i32
      %dma_start3A_438 = tpu.memref_slice %arg2[%dma_start3A_436, %dma_start3A_437] : memref<10000x128xf32, #tpu.memory_space<hbm>> -> memref<10000x128xf32, #tpu.memory_space<hbm>>
      tpu.enqueue_indirect_dma source(%dma_start3A_438 : memref<10000x128xf32, #tpu.memory_space<hbm>>) target(%arg10 : memref<128x128xf32, #tpu.memory_space<vmem>>) offsets(%dma_start3A_435 : memref<128xi32, #tpu.memory_space<vmem>>) semaphore(%arg12 : memref<!tpu.dma_semaphore, #tpu.memory_space<semaphore_mem>>)
      %dma_wait3A_439 = arith.constant 1 : i32
      %dma_wait3A_440 = arith.constant 4 : i32
      %dma_wait3A_441 = arith.constant 0 : i32
      %dma_wait3A_442 = tpu.memref_slice %arg7[%dma_wait3A_439, %dma_wait3A_440, %dma_wait3A_441] : memref<2x8x128xi32, #tpu.memory_space<vmem>> -> memref<1x1x128xi32, #tpu.memory_space<vmem>>
      %dma_wait3A_443 = tpu.memref_squeeze %dma_wait3A_442 : memref<1x1x128xi32, #tpu.memory_space<vmem>> -> memref<128xi32, #tpu.memory_space<vmem>>
      %dma_wait3A_444 = arith.constant 0 : i32
      %dma_wait3A_445 = arith.constant 0 : i32
      %dma_wait3A_446 = tpu.memref_slice %arg2[%dma_wait3A_444, %dma_wait3A_445] : memref<10000x128xf32, #tpu.memory_space<hbm>> -> memref<10000x128xf32, #tpu.memory_space<hbm>>
      tpu.wait_indirect_dma semaphore(%arg11 : memref<!tpu.dma_semaphore, #tpu.memory_space<semaphore_mem>>) src(%dma_wait3A_446 : memref<10000x128xf32, #tpu.memory_space<hbm>>) dst(%arg9 : memref<128x128xf32, #tpu.memory_space<vmem>>)
      %dma_start3A_447 = arith.constant 1 : i32
      %dma_start3A_448 = arith.constant 4 : i32
      %dma_start3A_449 = arith.constant 0 : i32
      %dma_start3A_450 = tpu.memref_slice %arg8[%dma_start3A_447, %dma_start3A_448, %dma_start3A_449] : memref<2x8x128xi32, #tpu.memory_space<vmem>> -> memref<1x1x128xi32, #tpu.memory_space<vmem>>
      %dma_start3A_451 = tpu.memref_squeeze %dma_start3A_450 : memref<1x1x128xi32, #tpu.memory_space<vmem>> -> memref<128xi32, #tpu.memory_space<vmem>>
      %dma_start3A_452 = arith.constant 0 : i32
      %dma_start3A_453 = arith.constant 0 : i32
      %dma_start3A_454 = tpu.memref_slice %arg17[%dma_start3A_452, %dma_start3A_453] : memref<10112x128xf32, #tpu.memory_space<vmem_shared>> -> memref<10112x128xf32, #tpu.memory_space<vmem_shared>>
      tpu.enqueue_indirect_dma source(%arg9 : memref<128x128xf32, #tpu.memory_space<vmem>>) target(%dma_start3A_454 : memref<10112x128xf32, #tpu.memory_space<vmem_shared>>) offsets(%dma_start3A_451 : memref<128xi32, #tpu.memory_space<vmem>>) semaphore(%arg13 : memref<!tpu.dma_semaphore, #tpu.memory_space<semaphore_mem>>) {add = true}
      %dma_wait3A_455 = arith.constant 1 : i32
      %dma_wait3A_456 = arith.constant 4 : i32
      %dma_wait3A_457 = arith.constant 0 : i32
      %dma_wait3A_458 = tpu.memref_slice %arg8[%dma_wait3A_455, %dma_wait3A_456, %dma_wait3A_457] : memref<2x8x128xi32, #tpu.memory_space<vmem>> -> memref<1x1x128xi32, #tpu.memory_space<vmem>>
      %dma_wait3A_459 = tpu.memref_squeeze %dma_wait3A_458 : memref<1x1x128xi32, #tpu.memory_space<vmem>> -> memref<128xi32, #tpu.memory_space<vmem>>
      %dma_wait3A_460 = arith.constant 0 : i32
      %dma_wait3A_461 = arith.constant 0 : i32
      %dma_wait3A_462 = tpu.memref_slice %arg17[%dma_wait3A_460, %dma_wait3A_461] : memref<10112x128xf32, #tpu.memory_space<vmem_shared>> -> memref<10112x128xf32, #tpu.memory_space<vmem_shared>>
      tpu.wait_indirect_dma semaphore(%arg13 : memref<!tpu.dma_semaphore, #tpu.memory_space<semaphore_mem>>) src(%arg9 : memref<128x128xf32, #tpu.memory_space<vmem>>) dst(%dma_wait3A_462 : memref<10112x128xf32, #tpu.memory_space<vmem_shared>>)
      %dma_start3A_463 = arith.constant 1 : i32
      %dma_start3A_464 = arith.constant 6 : i32
      %dma_start3A_465 = arith.constant 0 : i32
      %dma_start3A_466 = tpu.memref_slice %arg7[%dma_start3A_463, %dma_start3A_464, %dma_start3A_465] : memref<2x8x128xi32, #tpu.memory_space<vmem>> -> memref<1x1x128xi32, #tpu.memory_space<vmem>>
      %dma_start3A_467 = tpu.memref_squeeze %dma_start3A_466 : memref<1x1x128xi32, #tpu.memory_space<vmem>> -> memref<128xi32, #tpu.memory_space<vmem>>
      %dma_start3A_468 = arith.constant 0 : i32
      %dma_start3A_469 = arith.constant 0 : i32
      %dma_start3A_470 = tpu.memref_slice %arg2[%dma_start3A_468, %dma_start3A_469] : memref<10000x128xf32, #tpu.memory_space<hbm>> -> memref<10000x128xf32, #tpu.memory_space<hbm>>
      tpu.enqueue_indirect_dma source(%dma_start3A_470 : memref<10000x128xf32, #tpu.memory_space<hbm>>) target(%arg9 : memref<128x128xf32, #tpu.memory_space<vmem>>) offsets(%dma_start3A_467 : memref<128xi32, #tpu.memory_space<vmem>>) semaphore(%arg11 : memref<!tpu.dma_semaphore, #tpu.memory_space<semaphore_mem>>)
      %dma_wait3A_471 = arith.constant 1 : i32
      %dma_wait3A_472 = arith.constant 5 : i32
      %dma_wait3A_473 = arith.constant 0 : i32
      %dma_wait3A_474 = tpu.memref_slice %arg7[%dma_wait3A_471, %dma_wait3A_472, %dma_wait3A_473] : memref<2x8x128xi32, #tpu.memory_space<vmem>> -> memref<1x1x128xi32, #tpu.memory_space<vmem>>
      %dma_wait3A_475 = tpu.memref_squeeze %dma_wait3A_474 : memref<1x1x128xi32, #tpu.memory_space<vmem>> -> memref<128xi32, #tpu.memory_space<vmem>>
      %dma_wait3A_476 = arith.constant 0 : i32
      %dma_wait3A_477 = arith.constant 0 : i32
      %dma_wait3A_478 = tpu.memref_slice %arg2[%dma_wait3A_476, %dma_wait3A_477] : memref<10000x128xf32, #tpu.memory_space<hbm>> -> memref<10000x128xf32, #tpu.memory_space<hbm>>
      tpu.wait_indirect_dma semaphore(%arg12 : memref<!tpu.dma_semaphore, #tpu.memory_space<semaphore_mem>>) src(%dma_wait3A_478 : memref<10000x128xf32, #tpu.memory_space<hbm>>) dst(%arg10 : memref<128x128xf32, #tpu.memory_space<vmem>>)
      %dma_start3A_479 = arith.constant 1 : i32
      %dma_start3A_480 = arith.constant 5 : i32
      %dma_start3A_481 = arith.constant 0 : i32
      %dma_start3A_482 = tpu.memref_slice %arg8[%dma_start3A_479, %dma_start3A_480, %dma_start3A_481] : memref<2x8x128xi32, #tpu.memory_space<vmem>> -> memref<1x1x128xi32, #tpu.memory_space<vmem>>
      %dma_start3A_483 = tpu.memref_squeeze %dma_start3A_482 : memref<1x1x128xi32, #tpu.memory_space<vmem>> -> memref<128xi32, #tpu.memory_space<vmem>>
      %dma_start3A_484 = arith.constant 0 : i32
      %dma_start3A_485 = arith.constant 0 : i32
      %dma_start3A_486 = tpu.memref_slice %arg17[%dma_start3A_484, %dma_start3A_485] : memref<10112x128xf32, #tpu.memory_space<vmem_shared>> -> memref<10112x128xf32, #tpu.memory_space<vmem_shared>>
      tpu.enqueue_indirect_dma source(%arg10 : memref<128x128xf32, #tpu.memory_space<vmem>>) target(%dma_start3A_486 : memref<10112x128xf32, #tpu.memory_space<vmem_shared>>) offsets(%dma_start3A_483 : memref<128xi32, #tpu.memory_space<vmem>>) semaphore(%arg14 : memref<!tpu.dma_semaphore, #tpu.memory_space<semaphore_mem>>) {add = true}
      %dma_wait3A_487 = arith.constant 1 : i32
      %dma_wait3A_488 = arith.constant 5 : i32
      %dma_wait3A_489 = arith.constant 0 : i32
      %dma_wait3A_490 = tpu.memref_slice %arg8[%dma_wait3A_487, %dma_wait3A_488, %dma_wait3A_489] : memref<2x8x128xi32, #tpu.memory_space<vmem>> -> memref<1x1x128xi32, #tpu.memory_space<vmem>>
      %dma_wait3A_491 = tpu.memref_squeeze %dma_wait3A_490 : memref<1x1x128xi32, #tpu.memory_space<vmem>> -> memref<128xi32, #tpu.memory_space<vmem>>
      %dma_wait3A_492 = arith.constant 0 : i32
      %dma_wait3A_493 = arith.constant 0 : i32
      %dma_wait3A_494 = tpu.memref_slice %arg17[%dma_wait3A_492, %dma_wait3A_493] : memref<10112x128xf32, #tpu.memory_space<vmem_shared>> -> memref<10112x128xf32, #tpu.memory_space<vmem_shared>>
      tpu.wait_indirect_dma semaphore(%arg14 : memref<!tpu.dma_semaphore, #tpu.memory_space<semaphore_mem>>) src(%arg10 : memref<128x128xf32, #tpu.memory_space<vmem>>) dst(%dma_wait3A_494 : memref<10112x128xf32, #tpu.memory_space<vmem_shared>>)
      %dma_start3A_495 = arith.constant 1 : i32
      %dma_start3A_496 = arith.constant 7 : i32
      %dma_start3A_497 = arith.constant 0 : i32
      %dma_start3A_498 = tpu.memref_slice %arg7[%dma_start3A_495, %dma_start3A_496, %dma_start3A_497] : memref<2x8x128xi32, #tpu.memory_space<vmem>> -> memref<1x1x128xi32, #tpu.memory_space<vmem>>
      %dma_start3A_499 = tpu.memref_squeeze %dma_start3A_498 : memref<1x1x128xi32, #tpu.memory_space<vmem>> -> memref<128xi32, #tpu.memory_space<vmem>>
      %dma_start3A_500 = arith.constant 0 : i32
      %dma_start3A_501 = arith.constant 0 : i32
      %dma_start3A_502 = tpu.memref_slice %arg2[%dma_start3A_500, %dma_start3A_501] : memref<10000x128xf32, #tpu.memory_space<hbm>> -> memref<10000x128xf32, #tpu.memory_space<hbm>>
      tpu.enqueue_indirect_dma source(%dma_start3A_502 : memref<10000x128xf32, #tpu.memory_space<hbm>>) target(%arg10 : memref<128x128xf32, #tpu.memory_space<vmem>>) offsets(%dma_start3A_499 : memref<128xi32, #tpu.memory_space<vmem>>) semaphore(%arg12 : memref<!tpu.dma_semaphore, #tpu.memory_space<semaphore_mem>>)
      %dma_wait3A_503 = arith.constant 1 : i32
      %dma_wait3A_504 = arith.constant 6 : i32
      %dma_wait3A_505 = arith.constant 0 : i32
      %dma_wait3A_506 = tpu.memref_slice %arg7[%dma_wait3A_503, %dma_wait3A_504, %dma_wait3A_505] : memref<2x8x128xi32, #tpu.memory_space<vmem>> -> memref<1x1x128xi32, #tpu.memory_space<vmem>>
      %dma_wait3A_507 = tpu.memref_squeeze %dma_wait3A_506 : memref<1x1x128xi32, #tpu.memory_space<vmem>> -> memref<128xi32, #tpu.memory_space<vmem>>
      %dma_wait3A_508 = arith.constant 0 : i32
      %dma_wait3A_509 = arith.constant 0 : i32
      %dma_wait3A_510 = tpu.memref_slice %arg2[%dma_wait3A_508, %dma_wait3A_509] : memref<10000x128xf32, #tpu.memory_space<hbm>> -> memref<10000x128xf32, #tpu.memory_space<hbm>>
      tpu.wait_indirect_dma semaphore(%arg11 : memref<!tpu.dma_semaphore, #tpu.memory_space<semaphore_mem>>) src(%dma_wait3A_510 : memref<10000x128xf32, #tpu.memory_space<hbm>>) dst(%arg9 : memref<128x128xf32, #tpu.memory_space<vmem>>)
      %dma_start3A_511 = arith.constant 1 : i32
      %dma_start3A_512 = arith.constant 6 : i32
      %dma_start3A_513 = arith.constant 0 : i32
      %dma_start3A_514 = tpu.memref_slice %arg8[%dma_start3A_511, %dma_start3A_512, %dma_start3A_513] : memref<2x8x128xi32, #tpu.memory_space<vmem>> -> memref<1x1x128xi32, #tpu.memory_space<vmem>>
      %dma_start3A_515 = tpu.memref_squeeze %dma_start3A_514 : memref<1x1x128xi32, #tpu.memory_space<vmem>> -> memref<128xi32, #tpu.memory_space<vmem>>
      %dma_start3A_516 = arith.constant 0 : i32
      %dma_start3A_517 = arith.constant 0 : i32
      %dma_start3A_518 = tpu.memref_slice %arg17[%dma_start3A_516, %dma_start3A_517] : memref<10112x128xf32, #tpu.memory_space<vmem_shared>> -> memref<10112x128xf32, #tpu.memory_space<vmem_shared>>
      tpu.enqueue_indirect_dma source(%arg9 : memref<128x128xf32, #tpu.memory_space<vmem>>) target(%dma_start3A_518 : memref<10112x128xf32, #tpu.memory_space<vmem_shared>>) offsets(%dma_start3A_515 : memref<128xi32, #tpu.memory_space<vmem>>) semaphore(%arg13 : memref<!tpu.dma_semaphore, #tpu.memory_space<semaphore_mem>>) {add = true}
      %dma_wait3A_519 = arith.constant 1 : i32
      %dma_wait3A_520 = arith.constant 6 : i32
      %dma_wait3A_521 = arith.constant 0 : i32
      %dma_wait3A_522 = tpu.memref_slice %arg8[%dma_wait3A_519, %dma_wait3A_520, %dma_wait3A_521] : memref<2x8x128xi32, #tpu.memory_space<vmem>> -> memref<1x1x128xi32, #tpu.memory_space<vmem>>
      %dma_wait3A_523 = tpu.memref_squeeze %dma_wait3A_522 : memref<1x1x128xi32, #tpu.memory_space<vmem>> -> memref<128xi32, #tpu.memory_space<vmem>>
      %dma_wait3A_524 = arith.constant 0 : i32
      %dma_wait3A_525 = arith.constant 0 : i32
      %dma_wait3A_526 = tpu.memref_slice %arg17[%dma_wait3A_524, %dma_wait3A_525] : memref<10112x128xf32, #tpu.memory_space<vmem_shared>> -> memref<10112x128xf32, #tpu.memory_space<vmem_shared>>
      tpu.wait_indirect_dma semaphore(%arg13 : memref<!tpu.dma_semaphore, #tpu.memory_space<semaphore_mem>>) src(%arg9 : memref<128x128xf32, #tpu.memory_space<vmem>>) dst(%dma_wait3A_526 : memref<10112x128xf32, #tpu.memory_space<vmem_shared>>)
      %add3A_527 = arith.constant 1 : i32
      %add3A_528 = arith.addi %add3A_303, %add3A_527 : i32
      %lt3A_529 = arith.constant 10 : i32
      %lt3A_530 = arith.cmpi slt, %add3A_528, %lt3A_529 : i32
      %convert_element_type3A_531 = arith.extui %lt3A_530 : i1 to i32
      %cond3A_532 = arith.constant 0 : i32
      %cond3A_533 = arith.cmpi ne, %convert_element_type3A_531, %cond3A_532 : i32
      scf.if %cond3A_533 {
        %add3A_572 = arith.constant 1 : i32
        %add3A_573 = arith.addi %add3A_303, %add3A_572 : i32
        %mul3A_574 = arith.constant 8 : i32
        %mul3A_575 = arith.muli %add3A_573, %mul3A_574 : i32
        %multiple_of3A_576 = tpu.assume_multiple %mul3A_575, 8 : i32
        %dma_wait3A_577 = arith.constant 0 : i32
        %dma_wait3A_578 = arith.constant 0 : i32
        %dma_wait3A_579 = arith.constant 0 : i32
        %dma_wait3A_580 = tpu.memref_slice %arg7[%dma_wait3A_577, %dma_wait3A_578, %dma_wait3A_579] : memref<2x8x128xi32, #tpu.memory_space<vmem>> -> memref<1x8x128xi32, #tpu.memory_space<vmem>>
        %dma_wait3A_581 = tpu.memref_squeeze %dma_wait3A_580 : memref<1x8x128xi32, #tpu.memory_space<vmem>> -> memref<8x128xi32, #tpu.memory_space<vmem>>
        %dma_wait3A_582 = arith.constant 0 : i32
        %dma_wait3A_583 = tpu.memref_slice %arg3[%add3A, %multiple_of3A_576, %dma_wait3A_582] : memref<32x80x128xi32, #tpu.memory_space<hbm>> -> memref<1x8x128xi32, #tpu.memory_space<hbm>>
        %dma_wait3A_584 = tpu.memref_squeeze %dma_wait3A_583 : memref<1x8x128xi32, #tpu.memory_space<hbm>> -> memref<8x128xi32, #tpu.memory_space<hbm>>
        %dma_wait3A_585 = arith.constant 0 : i32
        %dma_wait3A_586 = arith.constant 0 : i32
        %dma_wait3A_587 = tpu.memref_slice %arg7[%dma_wait3A_577, %dma_wait3A_585, %dma_wait3A_586] : memref<2x8x128xi32, #tpu.memory_space<vmem>> -> memref<1x8x128xi32, #tpu.memory_space<vmem>>
        %dma_wait3A_588 = tpu.memref_squeeze %dma_wait3A_587 : memref<1x8x128xi32, #tpu.memory_space<vmem>> -> memref<8x128xi32, #tpu.memory_space<vmem>>
        %dma_wait3A_589 = arith.constant 0 : i32
        %dma_wait3A_590 = tpu.memref_slice %arg3[%add3A, %multiple_of3A_576, %dma_wait3A_589] : memref<32x80x128xi32, #tpu.memory_space<hbm>> -> memref<1x8x128xi32, #tpu.memory_space<hbm>>
        %dma_wait3A_591 = tpu.memref_squeeze %dma_wait3A_590 : memref<1x8x128xi32, #tpu.memory_space<hbm>> -> memref<8x128xi32, #tpu.memory_space<hbm>>
        tpu.wait_dma2 semaphore(%arg15 : memref<!tpu.dma_semaphore, #tpu.memory_space<semaphore_mem>>) src(%dma_wait3A_591 : memref<8x128xi32, #tpu.memory_space<hbm>>) dst(%dma_wait3A_588 : memref<8x128xi32, #tpu.memory_space<vmem>>)
        %dma_wait3A_592 = arith.constant 0 : i32
        %dma_wait3A_593 = arith.constant 0 : i32
        %dma_wait3A_594 = arith.constant 0 : i32
        %dma_wait3A_595 = tpu.memref_slice %arg8[%dma_wait3A_592, %dma_wait3A_593, %dma_wait3A_594] : memref<2x8x128xi32, #tpu.memory_space<vmem>> -> memref<1x8x128xi32, #tpu.memory_space<vmem>>
        %dma_wait3A_596 = tpu.memref_squeeze %dma_wait3A_595 : memref<1x8x128xi32, #tpu.memory_space<vmem>> -> memref<8x128xi32, #tpu.memory_space<vmem>>
        %dma_wait3A_597 = arith.constant 0 : i32
        %dma_wait3A_598 = tpu.memref_slice %arg4[%add3A, %multiple_of3A_576, %dma_wait3A_597] : memref<32x80x128xi32, #tpu.memory_space<hbm>> -> memref<1x8x128xi32, #tpu.memory_space<hbm>>
        %dma_wait3A_599 = tpu.memref_squeeze %dma_wait3A_598 : memref<1x8x128xi32, #tpu.memory_space<hbm>> -> memref<8x128xi32, #tpu.memory_space<hbm>>
        %dma_wait3A_600 = arith.constant 0 : i32
        %dma_wait3A_601 = arith.constant 0 : i32
        %dma_wait3A_602 = tpu.memref_slice %arg8[%dma_wait3A_592, %dma_wait3A_600, %dma_wait3A_601] : memref<2x8x128xi32, #tpu.memory_space<vmem>> -> memref<1x8x128xi32, #tpu.memory_space<vmem>>
        %dma_wait3A_603 = tpu.memref_squeeze %dma_wait3A_602 : memref<1x8x128xi32, #tpu.memory_space<vmem>> -> memref<8x128xi32, #tpu.memory_space<vmem>>
        %dma_wait3A_604 = arith.constant 0 : i32
        %dma_wait3A_605 = tpu.memref_slice %arg4[%add3A, %multiple_of3A_576, %dma_wait3A_604] : memref<32x80x128xi32, #tpu.memory_space<hbm>> -> memref<1x8x128xi32, #tpu.memory_space<hbm>>
        %dma_wait3A_606 = tpu.memref_squeeze %dma_wait3A_605 : memref<1x8x128xi32, #tpu.memory_space<hbm>> -> memref<8x128xi32, #tpu.memory_space<hbm>>
        tpu.wait_dma2 semaphore(%arg15 : memref<!tpu.dma_semaphore, #tpu.memory_space<semaphore_mem>>) src(%dma_wait3A_606 : memref<8x128xi32, #tpu.memory_space<hbm>>) dst(%dma_wait3A_603 : memref<8x128xi32, #tpu.memory_space<vmem>>)
      } else {
      }
      %add3A_534 = arith.constant 1 : i32
      %add3A_535 = arith.addi %add3A_303, %add3A_534 : i32
      %lt3A_536 = arith.constant 10 : i32
      %lt3A_537 = arith.cmpi slt, %add3A_535, %lt3A_536 : i32
      %convert_element_type3A_538 = arith.extui %lt3A_537 : i1 to i32
      %cond3A_539 = arith.constant 0 : i32
      %cond3A_540 = arith.cmpi ne, %convert_element_type3A_538, %cond3A_539 : i32
      scf.if %cond3A_540 {
        %dma_start3A_572 = arith.constant 0 : i32
        %dma_start3A_573 = arith.constant 0 : i32
        %dma_start3A_574 = arith.constant 0 : i32
        %dma_start3A_575 = tpu.memref_slice %arg7[%dma_start3A_572, %dma_start3A_573, %dma_start3A_574] : memref<2x8x128xi32, #tpu.memory_space<vmem>> -> memref<1x1x128xi32, #tpu.memory_space<vmem>>
        %dma_start3A_576 = tpu.memref_squeeze %dma_start3A_575 : memref<1x1x128xi32, #tpu.memory_space<vmem>> -> memref<128xi32, #tpu.memory_space<vmem>>
        %dma_start3A_577 = arith.constant 0 : i32
        %dma_start3A_578 = arith.constant 0 : i32
        %dma_start3A_579 = tpu.memref_slice %arg2[%dma_start3A_577, %dma_start3A_578] : memref<10000x128xf32, #tpu.memory_space<hbm>> -> memref<10000x128xf32, #tpu.memory_space<hbm>>
        tpu.enqueue_indirect_dma source(%dma_start3A_579 : memref<10000x128xf32, #tpu.memory_space<hbm>>) target(%arg9 : memref<128x128xf32, #tpu.memory_space<vmem>>) offsets(%dma_start3A_576 : memref<128xi32, #tpu.memory_space<vmem>>) semaphore(%arg11 : memref<!tpu.dma_semaphore, #tpu.memory_space<semaphore_mem>>)
      } else {
      }
      %dma_wait3A_541 = arith.constant 1 : i32
      %dma_wait3A_542 = arith.constant 7 : i32
      %dma_wait3A_543 = arith.constant 0 : i32
      %dma_wait3A_544 = tpu.memref_slice %arg7[%dma_wait3A_541, %dma_wait3A_542, %dma_wait3A_543] : memref<2x8x128xi32, #tpu.memory_space<vmem>> -> memref<1x1x128xi32, #tpu.memory_space<vmem>>
      %dma_wait3A_545 = tpu.memref_squeeze %dma_wait3A_544 : memref<1x1x128xi32, #tpu.memory_space<vmem>> -> memref<128xi32, #tpu.memory_space<vmem>>
      %dma_wait3A_546 = arith.constant 0 : i32
      %dma_wait3A_547 = arith.constant 0 : i32
      %dma_wait3A_548 = tpu.memref_slice %arg2[%dma_wait3A_546, %dma_wait3A_547] : memref<10000x128xf32, #tpu.memory_space<hbm>> -> memref<10000x128xf32, #tpu.memory_space<hbm>>
      tpu.wait_indirect_dma semaphore(%arg12 : memref<!tpu.dma_semaphore, #tpu.memory_space<semaphore_mem>>) src(%dma_wait3A_548 : memref<10000x128xf32, #tpu.memory_space<hbm>>) dst(%arg10 : memref<128x128xf32, #tpu.memory_space<vmem>>)
      %dma_start3A_549 = arith.constant 1 : i32
      %dma_start3A_550 = arith.constant 7 : i32
      %dma_start3A_551 = arith.constant 0 : i32
      %dma_start3A_552 = tpu.memref_slice %arg8[%dma_start3A_549, %dma_start3A_550, %dma_start3A_551] : memref<2x8x128xi32, #tpu.memory_space<vmem>> -> memref<1x1x128xi32, #tpu.memory_space<vmem>>
      %dma_start3A_553 = tpu.memref_squeeze %dma_start3A_552 : memref<1x1x128xi32, #tpu.memory_space<vmem>> -> memref<128xi32, #tpu.memory_space<vmem>>
      %dma_start3A_554 = arith.constant 0 : i32
      %dma_start3A_555 = arith.constant 0 : i32
      %dma_start3A_556 = tpu.memref_slice %arg17[%dma_start3A_554, %dma_start3A_555] : memref<10112x128xf32, #tpu.memory_space<vmem_shared>> -> memref<10112x128xf32, #tpu.memory_space<vmem_shared>>
      tpu.enqueue_indirect_dma source(%arg10 : memref<128x128xf32, #tpu.memory_space<vmem>>) target(%dma_start3A_556 : memref<10112x128xf32, #tpu.memory_space<vmem_shared>>) offsets(%dma_start3A_553 : memref<128xi32, #tpu.memory_space<vmem>>) semaphore(%arg14 : memref<!tpu.dma_semaphore, #tpu.memory_space<semaphore_mem>>) {add = true}
      %dma_wait3A_557 = arith.constant 1 : i32
      %dma_wait3A_558 = arith.constant 7 : i32
      %dma_wait3A_559 = arith.constant 0 : i32
      %dma_wait3A_560 = tpu.memref_slice %arg8[%dma_wait3A_557, %dma_wait3A_558, %dma_wait3A_559] : memref<2x8x128xi32, #tpu.memory_space<vmem>> -> memref<1x1x128xi32, #tpu.memory_space<vmem>>
      %dma_wait3A_561 = tpu.memref_squeeze %dma_wait3A_560 : memref<1x1x128xi32, #tpu.memory_space<vmem>> -> memref<128xi32, #tpu.memory_space<vmem>>
      %dma_wait3A_562 = arith.constant 0 : i32
      %dma_wait3A_563 = arith.constant 0 : i32
      %dma_wait3A_564 = tpu.memref_slice %arg17[%dma_wait3A_562, %dma_wait3A_563] : memref<10112x128xf32, #tpu.memory_space<vmem_shared>> -> memref<10112x128xf32, #tpu.memory_space<vmem_shared>>
      tpu.wait_indirect_dma semaphore(%arg14 : memref<!tpu.dma_semaphore, #tpu.memory_space<semaphore_mem>>) src(%arg10 : memref<128x128xf32, #tpu.memory_space<vmem>>) dst(%dma_wait3A_564 : memref<10112x128xf32, #tpu.memory_space<vmem_shared>>)
      %add3A_565 = arith.constant 1 : i32
      %add3A_566 = arith.addi %add3A_303, %add3A_565 : i32
      %lt3A_567 = arith.constant 10 : i32
      %lt3A_568 = arith.cmpi slt, %add3A_566, %lt3A_567 : i32
      %convert_element_type3A_569 = arith.extui %lt3A_568 : i1 to i32
      %cond3A_570 = arith.constant 0 : i32
      %cond3A_571 = arith.cmpi ne, %convert_element_type3A_569, %cond3A_570 : i32
      scf.if %cond3A_571 {
        %dma_start3A_572 = arith.constant 0 : i32
        %dma_start3A_573 = arith.constant 1 : i32
        %dma_start3A_574 = arith.constant 0 : i32
        %dma_start3A_575 = tpu.memref_slice %arg7[%dma_start3A_572, %dma_start3A_573, %dma_start3A_574] : memref<2x8x128xi32, #tpu.memory_space<vmem>> -> memref<1x1x128xi32, #tpu.memory_space<vmem>>
        %dma_start3A_576 = tpu.memref_squeeze %dma_start3A_575 : memref<1x1x128xi32, #tpu.memory_space<vmem>> -> memref<128xi32, #tpu.memory_space<vmem>>
        %dma_start3A_577 = arith.constant 0 : i32
        %dma_start3A_578 = arith.constant 0 : i32
        %dma_start3A_579 = tpu.memref_slice %arg2[%dma_start3A_577, %dma_start3A_578] : memref<10000x128xf32, #tpu.memory_space<hbm>> -> memref<10000x128xf32, #tpu.memory_space<hbm>>
        tpu.enqueue_indirect_dma source(%dma_start3A_579 : memref<10000x128xf32, #tpu.memory_space<hbm>>) target(%arg10 : memref<128x128xf32, #tpu.memory_space<vmem>>) offsets(%dma_start3A_576 : memref<128xi32, #tpu.memory_space<vmem>>) semaphore(%arg12 : memref<!tpu.dma_semaphore, #tpu.memory_space<semaphore_mem>>)
      } else {
      }
    }
    %scan3A_28 = arith.constant 5 : i32
    %barrier3A_29 = arith.constant 0 : index
    tpu.barrier barrier_id(%barrier3A_29)
    "tpu.region"() ({
      %run_scoped3A_30 = tpu.sem_alloc : memref<!tpu.dma_semaphore, #tpu.memory_space<semaphore_mem>>
      %dma_start3A_31 = arith.constant 0 : i32
      %dma_start3A_32 = tpu.memref_slice %arg6[%arg0, %multiple_of3A, %dma_start3A_31] : memref<2x10112x128xf32, #tpu.memory_space<hbm>> -> memref<1x632x128xf32, #tpu.memory_space<hbm>>
      %dma_start3A_33 = tpu.memref_squeeze %dma_start3A_32 : memref<1x632x128xf32, #tpu.memory_space<hbm>> -> memref<632x128xf32, #tpu.memory_space<hbm>>
      %dma_start3A_34 = arith.constant 0 : i32
      %dma_start3A_35 = tpu.memref_slice %arg17[%multiple_of3A, %dma_start3A_34] : memref<10112x128xf32, #tpu.memory_space<vmem_shared>> -> memref<632x128xf32, #tpu.memory_space<vmem_shared>>
      tpu.enqueue_dma source(%dma_start3A_35 : memref<632x128xf32, #tpu.memory_space<vmem_shared>>) target(%dma_start3A_33 : memref<632x128xf32, #tpu.memory_space<hbm>>) target_semaphore(%run_scoped3A_30 : memref<!tpu.dma_semaphore, #tpu.memory_space<semaphore_mem>>)
      %dma_wait3A_36 = arith.constant 0 : i32
      %dma_wait3A_37 = tpu.memref_slice %arg6[%arg0, %multiple_of3A, %dma_wait3A_36] : memref<2x10112x128xf32, #tpu.memory_space<hbm>> -> memref<1x632x128xf32, #tpu.memory_space<hbm>>
      %dma_wait3A_38 = tpu.memref_squeeze %dma_wait3A_37 : memref<1x632x128xf32, #tpu.memory_space<hbm>> -> memref<632x128xf32, #tpu.memory_space<hbm>>
      %dma_wait3A_39 = arith.constant 0 : i32
      %dma_wait3A_40 = tpu.memref_slice %arg17[%multiple_of3A, %dma_wait3A_39] : memref<10112x128xf32, #tpu.memory_space<vmem_shared>> -> memref<632x128xf32, #tpu.memory_space<vmem_shared>>
      tpu.wait_dma2 semaphore(%run_scoped3A_30 : memref<!tpu.dma_semaphore, #tpu.memory_space<semaphore_mem>>) src(%dma_wait3A_40 : memref<632x128xf32, #tpu.memory_space<vmem_shared>>) dst(%dma_wait3A_38 : memref<632x128xf32, #tpu.memory_space<hbm>>)
      tpu.yield
    }) : () -> ()
    return
  }
}

module attributes {stable_mosaic.version = 14 : i64} {
  func.func @_lstm_body(%arg0: i32, %arg1: memref<2x1000x128xf32, #tpu.memory_space<vmem>>, %arg2: memref<1000x128xf32, #tpu.memory_space<vmem>>, %arg3: memref<1000x128xf32, #tpu.memory_space<vmem>>, %arg4: memref<128x512xf32, #tpu.memory_space<vmem>>, %arg5: memref<128x512xf32, #tpu.memory_space<vmem>>, %arg6: memref<1x512xf32, #tpu.memory_space<vmem>>, %arg7: memref<1x512xf32, #tpu.memory_space<vmem>>, %arg8: memref<1000x128xf32, #tpu.memory_space<vmem>>, %arg9: memref<1000x128xf32, #tpu.memory_space<vmem>>) attributes {dimension_semantics = [#tpu.dimension_semantics<arbitrary>], iteration_bounds = array<i64: 10>, scalar_prefetch = 0 : i64, scratch_operands = 0 : i64, tpu.core_type = #tpu.core_type<tc>, window_params = [{transform_indices = @transform_0, window_bounds = array<i64: 2, 1000, 128>}, {transform_indices = @transform_1, window_bounds = array<i64: 1000, 128>}, {transform_indices = @transform_2, window_bounds = array<i64: 1000, 128>}, {pipeline_mode = #tpu.pipeline_mode<synchronous>, transform_indices = @transform_3, window_bounds = array<i64: 128, 512>}, {pipeline_mode = #tpu.pipeline_mode<synchronous>, transform_indices = @transform_4, window_bounds = array<i64: 128, 512>}, {pipeline_mode = #tpu.pipeline_mode<synchronous>, transform_indices = @transform_5, window_bounds = array<i64: 1, 512>}, {pipeline_mode = #tpu.pipeline_mode<synchronous>, transform_indices = @transform_6, window_bounds = array<i64: 1, 512>}, {transform_indices = @transform_7, window_bounds = array<i64: 1000, 128>}, {transform_indices = @transform_8, window_bounds = array<i64: 1000, 128>}]} {
    %get3A = arith.constant 0 : index
    %get3A_0 = arith.constant 0 : index
    %get3A_1 = arith.constant 0 : index
    %get3A_2 = vector.load %arg1[%get3A, %get3A_0, %get3A_1] : memref<2x1000x128xf32, #tpu.memory_space<vmem>>, vector<1x1000x128xf32>
    %get3A_3 = vector.shape_cast %get3A_2 : vector<1x1000x128xf32> to vector<1000x128xf32>
    %get3A_4 = arith.constant 1 : index
    %get3A_5 = arith.constant 0 : index
    %get3A_6 = arith.constant 0 : index
    %get3A_7 = vector.load %arg1[%get3A_4, %get3A_5, %get3A_6] : memref<2x1000x128xf32, #tpu.memory_space<vmem>>, vector<1x1000x128xf32>
    %get3A_8 = vector.shape_cast %get3A_7 : vector<1x1000x128xf32> to vector<1000x128xf32>
    %add3A = arith.addf %get3A_3, %get3A_8 : vector<1000x128xf32>
    %get3A_9 = arith.constant 0 : index
    %get3A_10 = arith.constant 0 : index
    %get3A_11 = vector.load %arg4[%get3A_9, %get3A_10] : memref<128x512xf32, #tpu.memory_space<vmem>>, vector<128x512xf32>
    %dot_general3A = arith.constant dense<0.000000e+00> : vector<1000x512xf32>
    %dot_general3A_12 = tpu.matmul %add3A, %get3A_11, %dot_general3A {dimension_numbers = #tpu.dot_dimension_numbers<[1], [0], [0], [1], [0, 0, 1, 1], [], []>, transpose_lhs_hint = false} : vector<1000x128xf32>, vector<128x512xf32>, vector<1000x512xf32> -> vector<1000x512xf32>
    %get3A_13 = arith.constant 0 : index
    %get3A_14 = arith.constant 0 : index
    %get3A_15 = vector.load %arg2[%get3A_13, %get3A_14] : memref<1000x128xf32, #tpu.memory_space<vmem>>, vector<1000x128xf32>
    %get3A_16 = arith.constant 0 : index
    %get3A_17 = arith.constant 0 : index
    %get3A_18 = vector.load %arg5[%get3A_16, %get3A_17] : memref<128x512xf32, #tpu.memory_space<vmem>>, vector<128x512xf32>
    %dot_general3A_19 = arith.constant dense<0.000000e+00> : vector<1000x512xf32>
    %dot_general3A_20 = tpu.matmul %get3A_15, %get3A_18, %dot_general3A_19 {dimension_numbers = #tpu.dot_dimension_numbers<[1], [0], [0], [1], [0, 0, 1, 1], [], []>, transpose_lhs_hint = false} : vector<1000x128xf32>, vector<128x512xf32>, vector<1000x512xf32> -> vector<1000x512xf32>
    %add3A_21 = arith.addf %dot_general3A_12, %dot_general3A_20 : vector<1000x512xf32>
    %get3A_22 = arith.constant 0 : index
    %get3A_23 = arith.constant 0 : index
    %get3A_24 = vector.load %arg6[%get3A_22, %get3A_23] : memref<1x512xf32, #tpu.memory_space<vmem>>, vector<1x512xf32>
    %add3A_25 = vector.broadcast %get3A_24 : vector<1x512xf32> to vector<1000x512xf32>
    %add3A_26 = arith.addf %add3A_21, %add3A_25 : vector<1000x512xf32>
    %get3A_27 = arith.constant 0 : index
    %get3A_28 = arith.constant 0 : index
    %get3A_29 = vector.load %arg7[%get3A_27, %get3A_28] : memref<1x512xf32, #tpu.memory_space<vmem>>, vector<1x512xf32>
    %add3A_30 = vector.broadcast %get3A_29 : vector<1x512xf32> to vector<1000x512xf32>
    %add3A_31 = arith.addf %add3A_26, %add3A_30 : vector<1000x512xf32>
    %slice3A = vector.extract_strided_slice %add3A_31 {offsets = [0, 0], sizes = [1000, 128], strides = [1, 1]} : vector<1000x512xf32> to vector<1000x128xf32>
    %logistic3A = arith.negf %slice3A : vector<1000x128xf32>
    %logistic3A_32 = math.exp %logistic3A : vector<1000x128xf32>
    %logistic3A_33 = arith.constant 1.000000e+00 : f32
    %logistic3A_34 = vector.broadcast %logistic3A_33 : f32 to vector<1000x128xf32>
    %logistic3A_35 = arith.addf %logistic3A_34, %logistic3A_32 : vector<1000x128xf32>
    %logistic3A_36 = arith.divf %logistic3A_34, %logistic3A_35 : vector<1000x128xf32>
    %slice3A_37 = vector.extract_strided_slice %add3A_31 {offsets = [0, 128], sizes = [1000, 128], strides = [1, 1]} : vector<1000x512xf32> to vector<1000x128xf32>
    %logistic3A_38 = arith.negf %slice3A_37 : vector<1000x128xf32>
    %logistic3A_39 = math.exp %logistic3A_38 : vector<1000x128xf32>
    %logistic3A_40 = arith.constant 1.000000e+00 : f32
    %logistic3A_41 = vector.broadcast %logistic3A_40 : f32 to vector<1000x128xf32>
    %logistic3A_42 = arith.addf %logistic3A_41, %logistic3A_39 : vector<1000x128xf32>
    %logistic3A_43 = arith.divf %logistic3A_41, %logistic3A_42 : vector<1000x128xf32>
    %slice3A_44 = vector.extract_strided_slice %add3A_31 {offsets = [0, 256], sizes = [1000, 128], strides = [1, 1]} : vector<1000x512xf32> to vector<1000x128xf32>
    %tanh3A = math.tanh %slice3A_44 : vector<1000x128xf32>
    %slice3A_45 = vector.extract_strided_slice %add3A_31 {offsets = [0, 384], sizes = [1000, 128], strides = [1, 1]} : vector<1000x512xf32> to vector<1000x128xf32>
    %logistic3A_46 = arith.negf %slice3A_45 : vector<1000x128xf32>
    %logistic3A_47 = math.exp %logistic3A_46 : vector<1000x128xf32>
    %logistic3A_48 = arith.constant 1.000000e+00 : f32
    %logistic3A_49 = vector.broadcast %logistic3A_48 : f32 to vector<1000x128xf32>
    %logistic3A_50 = arith.addf %logistic3A_49, %logistic3A_47 : vector<1000x128xf32>
    %logistic3A_51 = arith.divf %logistic3A_49, %logistic3A_50 : vector<1000x128xf32>
    %get3A_52 = arith.constant 0 : index
    %get3A_53 = arith.constant 0 : index
    %get3A_54 = vector.load %arg3[%get3A_52, %get3A_53] : memref<1000x128xf32, #tpu.memory_space<vmem>>, vector<1000x128xf32>
    %mul3A = arith.mulf %logistic3A_43, %get3A_54 : vector<1000x128xf32>
    %mul3A_55 = arith.mulf %logistic3A_36, %tanh3A : vector<1000x128xf32>
    %add3A_56 = arith.addf %mul3A, %mul3A_55 : vector<1000x128xf32>
    %tanh3A_57 = math.tanh %add3A_56 : vector<1000x128xf32>
    %mul3A_58 = arith.mulf %logistic3A_51, %tanh3A_57 : vector<1000x128xf32>
    %swap3A = arith.constant 0 : index
    %swap3A_59 = arith.constant 0 : index
    %swap3A_60 = vector.load %arg8[%swap3A, %swap3A_59] : memref<1000x128xf32, #tpu.memory_space<vmem>>, vector<1000x128xf32>
    tpu.vector_store %arg8[%swap3A, %swap3A_59], %mul3A_58 {strides = array<i32>} : memref<1000x128xf32, #tpu.memory_space<vmem>>, vector<1000x128xf32>,
    %swap3A_61 = arith.constant 0 : index
    %swap3A_62 = arith.constant 0 : index
    %swap3A_63 = vector.load %arg9[%swap3A_61, %swap3A_62] : memref<1000x128xf32, #tpu.memory_space<vmem>>, vector<1000x128xf32>
    tpu.vector_store %arg9[%swap3A_61, %swap3A_62], %add3A_56 {strides = array<i32>} : memref<1000x128xf32, #tpu.memory_space<vmem>>, vector<1000x128xf32>,
    return
  }
  func.func @transform_0(%arg0: i32) -> (i32, i32, i32) {
    %c0_i32 = arith.constant 0 : i32
    %c0_i32_0 = arith.constant 0 : i32
    %c0_i32_1 = arith.constant 0 : i32
    return %c0_i32, %arg0, %c0_i32_0 : i32, i32, i32
  }
  func.func @transform_1(%arg0: i32) -> (i32, i32) {
    %c0_i32 = arith.constant 0 : i32
    %c0_i32_0 = arith.constant 0 : i32
    return %arg0, %c0_i32 : i32, i32
  }
  func.func @transform_2(%arg0: i32) -> (i32, i32) {
    %c0_i32 = arith.constant 0 : i32
    %c0_i32_0 = arith.constant 0 : i32
    return %arg0, %c0_i32 : i32, i32
  }
  func.func @transform_3(%arg0: i32) -> (i32, i32) {
    %c0_i32 = arith.constant 0 : i32
    %c0_i32_0 = arith.constant 0 : i32
    %c0_i32_1 = arith.constant 0 : i32
    return %c0_i32, %c0_i32_0 : i32, i32
  }
  func.func @transform_4(%arg0: i32) -> (i32, i32) {
    %c0_i32 = arith.constant 0 : i32
    %c0_i32_0 = arith.constant 0 : i32
    %c0_i32_1 = arith.constant 0 : i32
    return %c0_i32, %c0_i32_0 : i32, i32
  }
  func.func @transform_5(%arg0: i32) -> (i32, i32) {
    %c0_i32 = arith.constant 0 : i32
    %c0_i32_0 = arith.constant 0 : i32
    %c0_i32_1 = arith.constant 0 : i32
    return %c0_i32, %c0_i32_0 : i32, i32
  }
  func.func @transform_6(%arg0: i32) -> (i32, i32) {
    %c0_i32 = arith.constant 0 : i32
    %c0_i32_0 = arith.constant 0 : i32
    %c0_i32_1 = arith.constant 0 : i32
    return %c0_i32, %c0_i32_0 : i32, i32
  }
  func.func @transform_7(%arg0: i32) -> (i32, i32) {
    %c0_i32 = arith.constant 0 : i32
    %c0_i32_0 = arith.constant 0 : i32
    return %arg0, %c0_i32 : i32, i32
  }
  func.func @transform_8(%arg0: i32) -> (i32, i32) {
    %c0_i32 = arith.constant 0 : i32
    %c0_i32_0 = arith.constant 0 : i32
    return %arg0, %c0_i32 : i32, i32
  }
}

</mosaic_0001>

<sc_bundles>
// kernel: kernel.4.cloned.1.call-start
scs
__scs_entry_jumppad:
0x0: {  	(pc) =	sbr.rel $0x88, $3  }
0x1: {  	(tag) =	ssettag $0x0;
	lr =	simm.s32 $0x1  }
0x2: {  	[smem:$0x3F99] =	sst lr;
	_ =	strace $0xD0000000  }
0x3: {  	_ = 	snop  }
0x4: {  	_ = 	snop  }
0x5: {  	_ = 	snop  }
0x6: {  	_ = 	snop  }
0x7: {  	_ = 	snop  }
__scs_overlays_trampoline_lowered:
0x8: {  	[smem:$0x3FA8] =	sst s0  }
0x9: {  	[smem:$0x3FA9] =	sst s1  }
0xa: {  	[smem:$0x3FAA] =	sst s2  }
0xb: {  	[smem:$0x3FAB] =	sst s3  }
0xc: {  	[smem:$0x3FAC] =	sst s4  }
0xd: {  	[smem:$0x3FAD] =	sst s5  }
0xe: {  	[smem:$0x3FAE] =	sst s6  }
0xf: {  	[smem:$0x3FAF] =	sst s7  }
0x10: {  	[smem:$0x3FB0] =	sst s8  }
0x11: {  	[smem:$0x3FB1] =	sst s9;
	s0 =	simm.s32 @!p0 $0x0  }
0x12: {  	s1 =	sld [smem:$0x3F97];
	s0 =	simm.s32 @p0 $0x1  }
0x13: {  	[smem:$0x3FB2] =	sst s0;
	s0 =	simm.s32 @!p1 $0x0  }
0x14: {  	s2 =	sld [smem:$0x3F96];
	s0 =	simm.s32 @p1 $0x1  }
0x15: {  	[smem:$0x3FB3] =	sst s0;
	s0 =	simm.s32 @!p2 $0x0  }
0x16: {  	s3 =	sld [smem:$0x3FDB];
	s0 =	simm.s32 @p2 $0x1  }
0x17: {  	s4 =	simm.s32 $0x1BF5;
	[smem:$0x3FB5] =	sst s0  }
0x18: {  	s0 =	sld [smem:$0x3F98];
	_ =	swait.ge [sflag:s4], $0x0  }
0x19: {  	s7 =	sld [smem:$0x3F99]  }
0x1a: {  	s8 =	sadd.s32 $0xFFFFE003, lr  }
0x1b: {  	s9 =	sadd.s32 $0xFFFFFEF7, lr;
	s5 =	simm.s32 $0xFFFFFFFF;
	p2 =	slt.u32 s8, $0xFFFFF086  }
0x1c: {  	p1 =	slt.u32 s9, $0xF7A;
	s5 =	simm.s32 @!p2 $0x0  }
0x1d: {  	s5 =	simm.s32 @p1 $0x1;
	p0 =	seq.s32 s7, s2  }
0x1e: {  	s7 =	smul.u32 @!p0 $0xF7A, s2;
	p2 =	seq.s32 @!p0 s5, $0x0  }
0x1f: {  	s9 =	smul.u32 $0xF7A, s1;
	s8 =	simm.s32 @!p0 $0x1BF5;
	p2 =	por !p2, p0  }
0x20: {  	[sflag:s8] =	ssyncset.s32 @!p0 $0xFFFFF086;
	s6 =	sadd.s32 @!p0 s3, s7;
	s7 =	simm.s32 @!p0 $0x108  }
0x21: {  	s3 =	sadd.s32 s3, s9;
	s6 =	sadd.s32 @!p0 $0x88, s6;
	s7 =	simm.s32 @p2 $0x1082  }
0x22: {  	[simem:s7], [sflag:s8] =	dma.local @!p0 [hbm:s6], $0xF7A  }
0x23: {  	s9 =	sor.u32 $0xD0000000, s2;
	s6 =	simm.s32 $0x108;
	_ =	swait.ge @!p0 [sflag:s8], $0x0  }
0x24: {  	s3 =	sadd.s32 $0x88, s3;
	s6 =	simm.s32 @!p1 $0x1082;
	[sflag:s4] =	ssyncset.s32 $0xFFFFF086  }
0x25: {  	[simem:s6], [sflag:s4] =	dma.local [hbm:s3], $0xF7A  }
0x26: {  	[smem:$0x3F99] =	sst s1;
	(tag) =	ssettag s2;
	_ =	strace s9  }
0x27: {  	s1 =	sld [smem:$0x3FA9]  }
0x28: {  	s2 =	sld [smem:$0x3FAA]  }
0x29: {  	s4 =	sld [smem:$0x3FAC]  }
0x2a: {  	p0 =	seq.s32 s5, $0x0;
	s5 =	sld [smem:$0x3FAD]  }
0x2b: {  	s6 =	sld [smem:$0x3FAE]  }
0x2c: {  	s7 =	sld [smem:$0x3FAF]  }
0x2d: {  	s3 =	simm.s32 $0x108;
	s8 =	sld [smem:$0x3FB0]  }
0x2e: {  	s3 =	simm.s32 @!p0 $0x1082;
	s9 =	sld [smem:$0x3FB1]  }
0x2f: {  	lr =	sadd.s32 s0, s3;
	s0 =	sld [smem:$0x3FA8]  }
0x30: {  	s3 =	sld [smem:$0x3FAB]  }
0x31: {  	[smem:$0x3FB4] =	sst s10  }
0x32: {  	s10 =	sld [smem:$0x3FB2];
	_ =	sdelay $0x3  }
0x33: {  	p0 =	seq.s32 s10, $0x1;
	s10 =	sld [smem:$0x3FB4];
	_ =	sdelay $0x3  }
0x34: {  	[smem:$0x3FB4] =	sst s10  }
0x35: {  	s10 =	sld [smem:$0x3FB3];
	_ =	sdelay $0x3  }
0x36: {  	p1 =	seq.s32 s10, $0x1;
	s10 =	sld [smem:$0x3FB4];
	_ =	sdelay $0x3  }
0x37: {  	[smem:$0x3FB4] =	sst s10  }
0x38: {  	s10 =	sld [smem:$0x3FB5]  }
0x39: {  	_ = 	snop;
	(pc) =	sbr.ind lr, $3  }
0x3a: {  	_ = 	snop  }
0x3b: {  	_ = 	snop  }
0x3c: {  	p2 =	seq.s32 s10, $0x1;
	s10 =	sld [smem:$0x3FB4]  }
0x3d: {  	_ =	shalt  }
0x3e: {  	_ =	shalt  }
0x3f: {  	_ =	shalt  }
0x40: {  	_ =	shalt  }
0x41: {  	_ =	shalt  }
0x42: {  	_ =	shalt  }
0x43: {  	_ =	shalt  }
0x44: {  	_ =	shalt  }
0x45: {  	_ =	shalt  }
0x46: {  	_ =	shalt  }
0x47: {  	_ =	shalt  }
0x48: {  	_ =	shalt  }
0x49: {  	_ =	shalt  }
0x4a: {  	_ =	shalt  }
0x4b: {  	_ =	shalt  }
0x4c: {  	_ =	shalt  }
0x4d: {  	_ =	shalt  }
0x4e: {  	_ =	shalt  }
0x4f: {  	_ =	shalt  }
0x50: {  	_ =	shalt  }
0x51: {  	_ =	shalt  }
0x52: {  	_ =	shalt  }
0x53: {  	_ =	shalt  }
0x54: {  	_ =	shalt  }
0x55: {  	_ =	shalt  }
0x56: {  	_ =	shalt  }
0x57: {  	_ =	shalt  }
0x58: {  	_ =	shalt  }
0x59: {  	_ =	shalt  }
0x5a: {  	_ =	shalt  }
0x5b: {  	_ =	shalt  }
0x5c: {  	_ =	shalt  }
0x5d: {  	_ =	shalt  }
0x5e: {  	_ =	shalt  }
0x5f: {  	_ =	shalt  }
0x60: {  	_ =	shalt  }
0x61: {  	_ =	shalt  }
0x62: {  	_ =	shalt  }
0x63: {  	_ =	shalt  }
0x64: {  	_ =	shalt  }
0x65: {  	_ =	shalt  }
0x66: {  	_ =	shalt  }
0x67: {  	_ =	shalt  }
0x68: {  	_ =	shalt  }
0x69: {  	_ =	shalt  }
0x6a: {  	_ =	shalt  }
0x6b: {  	_ =	shalt  }
0x6c: {  	_ =	shalt  }
0x6d: {  	_ =	shalt  }
0x6e: {  	_ =	shalt  }
0x6f: {  	_ =	shalt  }
0x70: {  	_ =	shalt  }
0x71: {  	_ =	shalt  }
0x72: {  	_ =	shalt  }
0x73: {  	_ =	shalt  }
0x74: {  	_ =	shalt  }
0x75: {  	_ =	shalt  }
0x76: {  	_ =	shalt  }
0x77: {  	_ =	shalt  }
0x78: {  	_ =	shalt  }
0x79: {  	_ =	shalt  }
0x7a: {  	_ =	shalt  }
0x7b: {  	_ =	shalt  }
0x7c: {  	_ =	shalt  }
0x7d: {  	_ =	shalt  }
0x7e: {  	_ =	shalt  }
0x7f: {  	_ =	shalt  }
0x80: {  	_ =	shalt  }
0x81: {  	_ =	shalt  }
0x82: {  	_ =	shalt  }
0x83: {  	_ =	shalt  }
0x84: {  	_ =	shalt  }
0x85: {  	_ =	shalt  }
0x86: {  	_ =	shalt  }
0x87: {  	_ =	shalt  }
.Lfunc_end0:
.L_simem_size_0:
called_computation_lowered:
.L_overlay_start_0:
0x88: {  	s2 =	sld [smem:$0x3FD9]  }
0x89: {  	s3 =	sld [smem:$0x3FFE];
	_ =	sdelay $0x1  }
0x8a: {  	s1 =	srdreg.scid  }
0x8b: {  	s0 =	sand.u32 $0x1, s1  }
0x8c: {  	s14 =	sshll.u32 s0, $0xA;
	s2 =	sadd.s32 s3, s2  }
0x8d: {  	s2 =	sadd.s32 s2, s14  }
0x8e: {  	[smem:$0x3FC0] =	sst s2  }
0x8f: {  	_ = 	snop  }
0x90: {  	s2 =	sld [smem:$0x3FD0];
	_ =	sdelay $0x2  }
0x91: {  	s4 =	simm.s32 $0xA;
	s5 =	simm.s32 $0x10;
	s15 =	sld [smem:$0x3FC8]  }
0x92: {  	[smem:s5], [sflag:s4] =	dma.local [hbm:s2], $0x1  }
0x93: {  	_ =	swait.eq [sflag:s4], $0x1  }
0x94: {  	[sflag:s4] =	ssyncset.done $0x0  }
0x95: {  	s16 =	sld [smem:$0x10];
	[sflag:s4] =	ssyncadd.s32 $0xFFFFFFFF  }
0x96: {  	s17 =	sld [smem:$0x11];
	(tm) =	ssettm $0x1  }
0x97: {  	s18 =	sld [smem:$0x3FFB];
	_ =	sdelay $0x3  }
0x98: {  	_ =	strace s18  }
0x99: {  	s5 =	sld [smem:$0x3FFC];
	_ =	sdelay $0x3  }
0x9a: {  	_ =	strace s5  }
0x9b: {  	s5 =	sld [smem:$0x3FFD];
	_ =	sdelay $0x3  }
0x9c: {  	_ =	strace s5  }
0x9d: {  	_ =	strace $0x8FFFFFFF  }
0x9e: {  	s19 =	sld [smem:$0x3FDB];
	_ =	sdelay $0x1  }
0x9f: {  	s6 =	simm.s32 $_scs_section_size  }
0xa0: {  	s7 =	simm.s32 $_size__tile_overlayer_lowered;
	s8 =	simm.s32 $_tile_overlayer_lowered  }
0xa1: {  	s22 =	simm.s32 $0x1BFF;
	s21 =	sshll.u32 s8, $0x1;
	s5 =	sadd.s32 s6, s19  }
0xa2: {  	s9 =	simm.s32 $0x0;
	s20 =	sshll.u32 s7, $0x1;
	s7 =	sadd.s32 s21, s5  }
0xa3: {  	[timem:s9], [sflag:s22] =	dma.local [hbm:s7], s20  }
0xa4: {  	_ =	swait.ge [sflag:s22], s20  }
0xa5: {  	s6 =	ssub.s32 $0x0, s20;
	[sflag:s22] =	ssyncset.done $0x0  }
0xa6: {  	[sflag:s22] =	ssyncadd.s32 s6;
	_ =	sdelay $0x1  }
0xa7: {  	s23 =	simm.s32 $0x1B8B  }
0xa8: {  	_ =	swait.ge [sflag:s23], $0x1  }
0xa9: {  	[sflag:s23] =	ssyncset.done $0x0  }
0xaa: {  	s25 =	simm.s32 $0x1B8E;
	s24 =	sld [smem:$0x3FFE];
	[sflag:s23] =	ssyncadd.s32 $0xFFFFFFFF  }
0xab: {  	s26 =	simm.s32 $execute0_lowered;
	[smem:$0x3FD2] =	sst s25  }
0xac: {  	s7 =	sshll.u32 s26, $0x1;
	_ =	strace $0x80000046;
	[dreg:$0x1] =	wrdreg $0xFFFFFFFF  }
0xad: {  	s28 =	simm.s32 $_size_execute0_lowered;
	s5 =	sadd.s32 s5, s7;
	[dreg:$0x0] =	wrdreg $0x0  }
0xae: {  	s7 =	sshll.u32 s28, $0x1;
	[dreg:$0x2] =	wrdreg s5  }
0xaf: {  	[dreg:$0x3] =	wrdreg s7  }
0xb0: {  	[dreg:$0x4] =	wrdreg $0xC0  }
0xb1: {  	_ =	task [dreg:s9], $0x5FFFF  }
0xb2: {  	[dreg:$0x1] =	wrdreg $0xFFFFFFFF  }
0xb3: {  	[dreg:$0x0] =	wrdreg $0x60  }
0xb4: {  	[dreg:$0x2] =	wrdreg s15  }
0xb5: {  	[dreg:$0x3] =	wrdreg s17  }
0xb6: {  	[dreg:$0x4] =	wrdreg s16  }
0xb7: {  	[dreg:$0x5] =	wrdreg s24  }
0xb8: {  	[dreg:$0x6] =	wrdreg $0x90000  }
0xb9: {  	[dreg:$0x7] =	wrdreg $0x9  }
0xba: {  	_ =	task.clear_ibuf [dreg:s9], $0x8FFFF;
	_ =	strace $0x90000046  }
0xbb: {  	s29 =	simm.s32 $0x9;
	_ =	strace $0x80000048  }
0xbc: {  	_ =	swait.ge [sflag:s29], $0x1  }
0xbd: {  	[sflag:s29] =	ssyncadd.s32 $0xFFFFFFFF  }
0xbe: {  	_ =	strace $0x90000048  }
0xbf: {  	_ =	sfence  }
0xc0: {  	s30 =	sld [smem:$0x0];
	_ =	sdelay $0x2  }
0xc1: {  	s31 =	sshll.u32 s1, $0xD;
	s1 =	sshrl.u32 s1, $0x2  }
0xc2: {  	s3 =	sand.u32 $0x4000, s31;
	s1 =	sadd.s32 s1, s30  }
0xc3: {  	s0 =	sor.u32 s3, s0;
	s1 =	sshll.u32 s1, $0x11  }
0xc4: {  	s0 =	sor.u32 s1, s0  }
0xc5: {  	s0 =	sadd.s32 $0x8F2B, s0  }
0xc6: {  	[sflag:s0] =	ssyncadd.remote.s32 $0x1  }
0xc7: {  	_ =	sfence.sel $0xFFFF  }
0xc8: {  	[dreg:$0x0] =	wrdreg $0xFFFFFFFF;
	(pc) =	sbr.abs _section_cstart, $3  }
0xc9: {  	[dreg:$0x1] =	wrdreg $0xFFFFFFFF  }
0xca: {  	_ =	task.clear_ibuf [dreg:s9], $0x2FFFF;
	_ =	strace $0x9FFFFFFF  }
0xcb: {  	(tm) =	ssettm $0x7FFFFFFF  }
tec
execute0_lowered:
.L_overlay_start_1:
0x0: {  	(tag) =	ssettag $0x1  }
0x1: {  	s1 =	rddreg [dreg:$0x0]  }
0x2: {  	s10 =	rddreg [dreg:$0x1]  }
0x3: {  	s11 =	rddreg [dreg:$0x2]  }
0x4: {  	s0 =	rddreg [dreg:$0x3]  }
0x5: {  	s5 =	rddreg [dreg:$0x4];
	s2 =	srdreg.scid  }
0x6: {  	s12 =	stileid.u32;
	s6 =	simm.s32 $0x0;
	s17 =	simm.s32 $0x80  }
0x7: {  	s28 =	simm.s32 $0x3;
	s30 =	simm.s32 $0x2;
	s29 =	simm.s32 $0x580  }
0x8: {  	s31 =	simm.s32 $0xD00;
	s15 =	simm.s32 $0x0;
	s4 =	smul.u32 $0x13C00, s12  }
0x9: {  	s2 =	sand.u32 $0x1, s2;
	[smem:$0x7FF] =	sst s6;
	s21 =	smul.u32 $0x2800, s12  }
0xa: {  	s19 =	sadd.s32 $0x1800, s0;
	s9 =	smul.u32 $0x4F000, s12;
	s26 =	sshll.u32 s12, $0x6  }
0xb: {  	s3 =	smul.u32 $0x13C000, s2;
	s7 =	sshll.u32 s2, $0x4;
	_ =	strace $0x80000047  }
0xc: {  	[dreg:$0x6] =	wrdreg s19;
	s20 =	smul.u32 $0x28000, s2;
	s2 =	ssub.s32 $0x2, s2  }
0xd: {  	[dreg:$0xc] =	wrdreg s26;
	s19 =	simm.s32 $0xF80;
	s7 =	sor.u32 s12, s7  }
0xe: {  	s8 =	sshrl.u32 s2, $0x1;
	s23 =	sshrl.u32 s9, $0x2;
	s9 =	simm.s32 $0xE00  }
0xf: {  	s12 =	simm.s32 $0x780;
	s3 =	sadd.s32 s4, s3;
	s18 =	smul.u32 $0x2800, s7  }
0x10: {  	s2 =	ssub.s32 s2, s8;
	s8 =	simm.s32 $0x680;
	s3 =	sshrl.u32 s3, $0x3  }
0x11: {  	s2 =	smax.u32 s2, $0x1;
	s0 =	sadd.s32 s3, s0;
	s4 =	sshrl.u32 s18, $0x3  }
0x12: {  	s3 =	sadd.s32 s21, s20;
	[dreg:$0xa] =	wrdreg s2;
	s18 =	simm.s32 $0x1000  }
0x13: {  	s20 =	simm.s32 $0x5000;
	s21 =	simm.s32 $0xF00;
	s22 =	sadd.s32 s10, s4  }
0x14: {  	s4 =	sadd.s32 s11, s4;
	s7 =	sor.u32 $0x400, s3;
	[dreg:$0x7] =	wrdreg s22  }
0x15: {  	s0 =	sadd.s32 $0x4000, s0;
	s25 =	sadd.s32 $0x800, s3;
	[dreg:$0x8] =	wrdreg s4  }
0x16: {  	s3 =	simm.s32 $0x7;
	s4 =	sadd.s32 s23, s5;
	[dreg:$0x9] =	wrdreg s0  }
0x17: {  	s24 =	sshrl.u32 s7, $0x3;
	[dreg:$0xb] =	wrdreg s25;
	s0 =	sor.u32 $0x1C06, s26  }
.Ltmp0:
0x18: {  	s25 =	simm.s32 $0xC00;
	s26 =	simm.s32 $0x1;
	(pc) =	sbr.rel .LBB2_1-.Ltmp0, $4  }
0x19: {  	s22 =	simm.s32 $0x5;
	s7 =	simm.s32 $0xD80;
	s13 =	sadd.s32 s24, s11  }
0x1a: {  	s14 =	sadd.s32 s24, s10;
	[dreg:$0xd] =	wrdreg s0;
	s16 =	sshrl.u32 s4, $0x3  }
0x1b: {  	s24 =	simm.s32 $0x400;
	s0 =	simm.s32 $0x4;
	s4 =	simm.s32 $0x600  }
0x1c: {  	s10 =	simm.s32 $0x700;
	s11 =	simm.s32 $0xE80;
	[dreg:$0xe] =	wrdreg s16  }
.LBB2_4:
0x1d: {  	_ =	swait.ge [sflag:s30], $0x4000  }
0x1e: {  	[sflag:s30] =	ssyncset.done $0x0  }
0x1f: {  	[sflag:s30] =	ssyncadd.s32 $0xFFFFC000  }
0x20: {  	[spmem:s5] =	stream.indirect.scatter.add.f32 [tilespmem:s20], [sflag:$0x4], $0x80, s19, s17, $0xb8;
	[tilespmem:$0x1CC00] =	vst v63  }
0x21: {  	_ =	swait.ge [sflag:s0], $0x4000  }
0x22: {  	[sflag:s0] =	ssyncset.done $0x0  }
0x23: {  	[sflag:s0] =	ssyncadd.s32 $0xFFFFC000  }
0x24: {  	[bflag:$0x0] =	sbarrier.arrive $0xFFFF  }
0x25: {  	s2 =	rddreg [dreg:$0xc]  }
0x26: {  	s3 =	rddreg [dreg:$0x9]  }
0x27: {  	s16 =	rddreg [dreg:$0xe];
	s2 =	sor.u32 $0x1C07, s2  }
0x28: {  	[hbm:s3], [sflag:s2] =	dma.local [spmem:s16], $0x2780  }
0x29: {  	s3 =	simm.s32 $0x7  }
0x2a: {  	_ =	swait.ge [sflag:s3], $0x2780  }
0x2b: {  	s15 =	rddreg [dreg:$0xf]  }
0x2c: {  	s23 =	rddreg [dreg:$0xa];
	s15 =	sadd.s32 $0x1, s15  }
0x2d: {  	p0 =	sne.s32 s15, s23  }
.Ltmp1:
0x2e: {  	_ = 	snop;
	(pc) =	sbr.rel @!p0 .LBB2_5-.Ltmp1, $3  }
0x2f: {  	_ =	sdelay $0x1  }
0x30: {  	[sflag:s3] =	ssyncset.done $0x0  }
0x31: {  	[sflag:s3] =	ssyncadd.s32 $0xFFFFD880  }
.LBB2_1:
0x32: {  	[dreg:$0xf] =	wrdreg s15  }
0x33: {  	s2 =	rddreg [dreg:$0x7]  }
0x34: {  	[tilespmem:s6], [sflag:$0x7] =	stream.linear.gather [hbm4b:s2+s6], $0x400, $0x38;
	[tilespmem:$0x1CC00] =	vst v63  }
0x35: {  	_ =	swait.ge [sflag:s3], $0x400  }
0x36: {  	[sflag:s3] =	ssyncset.done $0x0  }
0x37: {  	s23 =	simm.s32 $0x800;
	s15 =	rddreg [dreg:$0x8];
	[sflag:s3] =	ssyncadd.s32 $0xFFFFFC00  }
0x38: {  	[tilespmem:s23], [sflag:$0x7] =	stream.linear.gather [hbm4b:s15+s6], $0x400, $0x38;
	[tilespmem:$0x1CC00] =	vst v63  }
0x39: {  	_ =	swait.ge [sflag:s3], $0x400  }
0x3a: {  	[sflag:s3] =	ssyncset.done $0x0  }
0x3b: {  	s15 =	rddreg [dreg:$0xd];
	[sflag:s3] =	ssyncadd.s32 $0xFFFFFC00  }
0x3c: {  	[tilespmem:s18], [sflag:$0x1] =	stream.indirect.gather [hbm4b:s1+s17], $0x80, s6, s17, $0xb8;
	[tilespmem:$0x1CC00] =	vst v63  }
0x3d: {  	s23 =	simm.s32 $0x6;
	s3 =	rddreg [dreg:$0x6]  }
0x3e: {  	[tilespmem:s20], [sflag:$0x2] =	stream.indirect.gather [hbm4b:s1+s17], $0x80, s17, s17, $0xb8;
	[tilespmem:$0x1CC00] =	vst v63  }
0x3f: {  	[spmem:s16], [sflag:s15] =	dma.local [hbm:s3], $0x2780  }
0x40: {  	_ =	swait.ge [sflag:s23], $0x2780  }
0x41: {  	[sflag:s23] =	ssyncset.done $0x0  }
0x42: {  	[sflag:s23] =	ssyncadd.s32 $0xFFFFD880  }
0x43: {  	[bflag:$0x0] =	sbarrier.arrive $0xFFFF  }
0x44: {  	s23 =	simm.s32 $0x0;
	s15 =	rddreg [dreg:$0xb]  }
.LBB2_2:
0x45: {  	s2 =	sadd.s32 s23, s14  }
0x46: {  	[tilespmem:s24], [sflag:$0x5] =	stream.linear.gather [hbm4b:s2+s6], $0x400, $0x38;
	[tilespmem:$0x1CC00] =	vst v63  }
0x47: {  	s3 =	sadd.s32 s23, s13  }
0x48: {  	[tilespmem:s25], [sflag:$0x5] =	stream.linear.gather [hbm4b:s3+s6], $0x400, $0x38;
	[tilespmem:$0x1CC00] =	vst v63  }
0x49: {  	_ =	swait.ge [sflag:s26], $0x4000  }
0x4a: {  	[sflag:s26] =	ssyncset.done $0x0  }
0x4b: {  	s16 =	simm.s32 $0x800;
	[sflag:s26] =	ssyncadd.s32 $0xFFFFC000  }
0x4c: {  	[spmem:s5] =	stream.indirect.scatter.add.f32 [tilespmem:s18], [sflag:$0x3], $0x80, s16, s17, $0xb8;
	[tilespmem:$0x1CC00] =	vst v63  }
0x4d: {  	_ =	swait.ge [sflag:s28], $0x4000  }
0x4e: {  	[sflag:s28] =	ssyncset.done $0x0  }
0x4f: {  	s3 =	simm.s32 $0x100;
	[sflag:s28] =	ssyncadd.s32 $0xFFFFC000  }
0x50: {  	[tilespmem:s18], [sflag:$0x1] =	stream.indirect.gather [hbm4b:s1+s17], $0x80, s3, s17, $0xb8;
	[tilespmem:$0x1CC00] =	vst v63  }
0x51: {  	_ =	swait.ge [sflag:s30], $0x4000  }
0x52: {  	[sflag:s30] =	ssyncset.done $0x0  }
0x53: {  	s16 =	simm.s32 $0x880;
	[sflag:s30] =	ssyncadd.s32 $0xFFFFC000  }
0x54: {  	[spmem:s5] =	stream.indirect.scatter.add.f32 [tilespmem:s20], [sflag:$0x4], $0x80, s16, s17, $0xb8;
	[tilespmem:$0x1CC00] =	vst v63  }
0x55: {  	_ =	swait.ge [sflag:s0], $0x4000  }
0x56: {  	[sflag:s0] =	ssyncset.done $0x0  }
0x57: {  	s3 =	simm.s32 $0x180;
	[sflag:s0] =	ssyncadd.s32 $0xFFFFC000  }
0x58: {  	[tilespmem:s20], [sflag:$0x2] =	stream.indirect.gather [hbm4b:s1+s17], $0x80, s3, s17, $0xb8;
	[tilespmem:$0x1CC00] =	vst v63  }
0x59: {  	_ =	swait.ge [sflag:s26], $0x4000  }
0x5a: {  	[sflag:s26] =	ssyncset.done $0x0  }
0x5b: {  	s16 =	simm.s32 $0x900;
	[sflag:s26] =	ssyncadd.s32 $0xFFFFC000  }
0x5c: {  	[spmem:s5] =	stream.indirect.scatter.add.f32 [tilespmem:s18], [sflag:$0x3], $0x80, s16, s17, $0xb8;
	[tilespmem:$0x1CC00] =	vst v63  }
0x5d: {  	_ =	swait.ge [sflag:s28], $0x4000  }
0x5e: {  	[sflag:s28] =	ssyncset.done $0x0  }
0x5f: {  	s3 =	simm.s32 $0x200;
	[sflag:s28] =	ssyncadd.s32 $0xFFFFC000  }
0x60: {  	[tilespmem:s18], [sflag:$0x1] =	stream.indirect.gather [hbm4b:s1+s17], $0x80, s3, s17, $0xb8;
	[tilespmem:$0x1CC00] =	vst v63  }
0x61: {  	_ =	swait.ge [sflag:s30], $0x4000  }
0x62: {  	[sflag:s30] =	ssyncset.done $0x0  }
0x63: {  	s16 =	simm.s32 $0x980;
	[sflag:s30] =	ssyncadd.s32 $0xFFFFC000  }
0x64: {  	[spmem:s5] =	stream.indirect.scatter.add.f32 [tilespmem:s20], [sflag:$0x4], $0x80, s16, s17, $0xb8;
	[tilespmem:$0x1CC00] =	vst v63  }
0x65: {  	_ =	swait.ge [sflag:s0], $0x4000  }
0x66: {  	[sflag:s0] =	ssyncset.done $0x0  }
0x67: {  	s3 =	simm.s32 $0x280;
	[sflag:s0] =	ssyncadd.s32 $0xFFFFC000  }
0x68: {  	[tilespmem:s20], [sflag:$0x2] =	stream.indirect.gather [hbm4b:s1+s17], $0x80, s3, s17, $0xb8;
	[tilespmem:$0x1CC00] =	vst v63  }
0x69: {  	_ =	swait.ge [sflag:s26], $0x4000  }
0x6a: {  	[sflag:s26] =	ssyncset.done $0x0  }
0x6b: {  	s16 =	simm.s32 $0xA00;
	[sflag:s26] =	ssyncadd.s32 $0xFFFFC000  }
0x6c: {  	[spmem:s5] =	stream.indirect.scatter.add.f32 [tilespmem:s18], [sflag:$0x3], $0x80, s16, s17, $0xb8;
	[tilespmem:$0x1CC00] =	vst v63  }
0x6d: {  	_ =	swait.ge [sflag:s28], $0x4000  }
0x6e: {  	[sflag:s28] =	ssyncset.done $0x0  }
0x6f: {  	s3 =	simm.s32 $0x300;
	[sflag:s28] =	ssyncadd.s32 $0xFFFFC000  }
0x70: {  	[tilespmem:s18], [sflag:$0x1] =	stream.indirect.gather [hbm4b:s1+s17], $0x80, s3, s17, $0xb8;
	[tilespmem:$0x1CC00] =	vst v63  }
0x71: {  	_ =	swait.ge [sflag:s30], $0x4000  }
0x72: {  	[sflag:s30] =	ssyncset.done $0x0  }
0x73: {  	s16 =	simm.s32 $0xA80;
	[sflag:s30] =	ssyncadd.s32 $0xFFFFC000  }
0x74: {  	[spmem:s5] =	stream.indirect.scatter.add.f32 [tilespmem:s20], [sflag:$0x4], $0x80, s16, s17, $0xb8;
	[tilespmem:$0x1CC00] =	vst v63  }
0x75: {  	_ =	swait.ge [sflag:s0], $0x4000  }
0x76: {  	[sflag:s0] =	ssyncset.done $0x0  }
0x77: {  	s3 =	simm.s32 $0x380;
	[sflag:s0] =	ssyncadd.s32 $0xFFFFC000  }
0x78: {  	[tilespmem:s20], [sflag:$0x2] =	stream.indirect.gather [hbm4b:s1+s17], $0x80, s3, s17, $0xb8;
	[tilespmem:$0x1CC00] =	vst v63  }
0x79: {  	_ =	swait.ge [sflag:s26], $0x4000  }
0x7a: {  	[sflag:s26] =	ssyncset.done $0x0  }
0x7b: {  	s16 =	simm.s32 $0xB00;
	[sflag:s26] =	ssyncadd.s32 $0xFFFFC000  }
0x7c: {  	[spmem:s5] =	stream.indirect.scatter.add.f32 [tilespmem:s18], [sflag:$0x3], $0x80, s16, s17, $0xb8;
	[tilespmem:$0x1CC00] =	vst v63  }
0x7d: {  	_ =	swait.ge [sflag:s28], $0x4000  }
0x7e: {  	[sflag:s28] =	ssyncset.done $0x0  }
0x7f: {  	[sflag:s28] =	ssyncadd.s32 $0xFFFFC000  }
0x80: {  	_ =	swait.ge [sflag:s22], $0x400  }
0x81: {  	[sflag:s22] =	ssyncset.done $0x0  }
0x82: {  	[sflag:s22] =	ssyncadd.s32 $0xFFFFFC00  }
0x83: {  	_ =	swait.ge [sflag:s22], $0x400  }
0x84: {  	[sflag:s22] =	ssyncset.done $0x0  }
0x85: {  	[sflag:s22] =	ssyncadd.s32 $0xFFFFFC00  }
0x86: {  	[tilespmem:s18], [sflag:$0x1] =	stream.indirect.gather [hbm4b:s1+s17], $0x80, s24, s17, $0xb8;
	[tilespmem:$0x1CC00] =	vst v63  }
0x87: {  	_ =	swait.ge [sflag:s30], $0x4000  }
0x88: {  	[sflag:s30] =	ssyncset.done $0x0  }
0x89: {  	s3 =	simm.s32 $0xB80;
	[sflag:s30] =	ssyncadd.s32 $0xFFFFC000  }
0x8a: {  	[spmem:s5] =	stream.indirect.scatter.add.f32 [tilespmem:s20], [sflag:$0x4], $0x80, s3, s17, $0xb8;
	[tilespmem:$0x1CC00] =	vst v63  }
0x8b: {  	_ =	swait.ge [sflag:s0], $0x4000  }
0x8c: {  	[sflag:s0] =	ssyncset.done $0x0  }
0x8d: {  	p0 =	seq.s32 s23, $0x400;
	s16 =	simm.s32 $0x480;
	[sflag:s0] =	ssyncadd.s32 $0xFFFFC000  }
0x8e: {  	[tilespmem:s20], [sflag:$0x2] =	stream.indirect.gather [hbm4b:s1+s17], $0x80, s16, s17, $0xb8;
	[tilespmem:$0x1CC00] =	vst v63  }
0x8f: {  	s2 =	sshrl.u32 @!p0 s15, $0x3;
	s3 =	rddreg [dreg:$0x1]  }
0x90: {  	s16 =	simm.s32 @!p0 $0x0;
	s3 =	sadd.s32 @!p0 s3, s2  }
0x91: {  	[tilespmem:s16], [sflag:$0x5] =	stream.linear.gather @!p0 [hbm4b:s3+s16], $0x400, $0x38;
	[tilespmem:$0x1CC00] =	vst v63  }
0x92: {  	s3 =	rddreg [dreg:$0x2]  }
0x93: {  	s2 =	sadd.s32 @!p0 s3, s2;
	s3 =	simm.s32 @!p0 $0x800  }
0x94: {  	[tilespmem:s3], [sflag:$0x5] =	stream.linear.gather @!p0 [hbm4b:s2+s16], $0x400, $0x38;
	[tilespmem:$0x1CC00] =	vst v63  }
0x95: {  	_ =	swait.ge [sflag:s26], $0x4000  }
0x96: {  	[sflag:s26] =	ssyncset.done $0x0  }
0x97: {  	[sflag:s26] =	ssyncadd.s32 $0xFFFFC000  }
0x98: {  	[spmem:s5] =	stream.indirect.scatter.add.f32 [tilespmem:s18], [sflag:$0x3], $0x80, s25, s17, $0xb8;
	[tilespmem:$0x1CC00] =	vst v63  }
0x99: {  	_ =	swait.ge [sflag:s28], $0x4000  }
0x9a: {  	[sflag:s28] =	ssyncset.done $0x0  }
0x9b: {  	s3 =	simm.s32 $0x500;
	[sflag:s28] =	ssyncadd.s32 $0xFFFFC000  }
0x9c: {  	[tilespmem:s18], [sflag:$0x1] =	stream.indirect.gather [hbm4b:s1+s17], $0x80, s3, s17, $0xb8;
	[tilespmem:$0x1CC00] =	vst v63  }
0x9d: {  	_ =	swait.ge [sflag:s30], $0x4000  }
0x9e: {  	[sflag:s30] =	ssyncset.done $0x0  }
0x9f: {  	s16 =	simm.s32 $0xC80;
	[sflag:s30] =	ssyncadd.s32 $0xFFFFC000  }
0xa0: {  	[spmem:s5] =	stream.indirect.scatter.add.f32 [tilespmem:s20], [sflag:$0x4], $0x80, s16, s17, $0xb8;
	[tilespmem:$0x1CC00] =	vst v63  }
0xa1: {  	_ =	swait.ge [sflag:s0], $0x4000  }
0xa2: {  	[sflag:s0] =	ssyncset.done $0x0  }
0xa3: {  	[sflag:s0] =	ssyncadd.s32 $0xFFFFC000  }
0xa4: {  	[tilespmem:s20], [sflag:$0x2] =	stream.indirect.gather [hbm4b:s1+s17], $0x80, s29, s17, $0xb8;
	[tilespmem:$0x1CC00] =	vst v63  }
0xa5: {  	_ =	swait.ge [sflag:s26], $0x4000  }
0xa6: {  	[sflag:s26] =	ssyncset.done $0x0  }
0xa7: {  	[sflag:s26] =	ssyncadd.s32 $0xFFFFC000  }
0xa8: {  	[spmem:s5] =	stream.indirect.scatter.add.f32 [tilespmem:s18], [sflag:$0x3], $0x80, s31, s17, $0xb8;
	[tilespmem:$0x1CC00] =	vst v63  }
0xa9: {  	_ =	swait.ge [sflag:s28], $0x4000  }
0xaa: {  	[sflag:s28] =	ssyncset.done $0x0  }
0xab: {  	[sflag:s28] =	ssyncadd.s32 $0xFFFFC000  }
0xac: {  	[tilespmem:s18], [sflag:$0x1] =	stream.indirect.gather [hbm4b:s1+s17], $0x80, s4, s17, $0xb8;
	[tilespmem:$0x1CC00] =	vst v63  }
0xad: {  	_ =	swait.ge [sflag:s30], $0x4000  }
0xae: {  	[sflag:s30] =	ssyncset.done $0x0  }
0xaf: {  	[sflag:s30] =	ssyncadd.s32 $0xFFFFC000  }
0xb0: {  	[spmem:s5] =	stream.indirect.scatter.add.f32 [tilespmem:s20], [sflag:$0x4], $0x80, s7, s17, $0xb8;
	[tilespmem:$0x1CC00] =	vst v63  }
0xb1: {  	_ =	swait.ge [sflag:s0], $0x4000  }
0xb2: {  	[sflag:s0] =	ssyncset.done $0x0  }
0xb3: {  	[sflag:s0] =	ssyncadd.s32 $0xFFFFC000  }
0xb4: {  	[tilespmem:s20], [sflag:$0x2] =	stream.indirect.gather [hbm4b:s1+s17], $0x80, s8, s17, $0xb8;
	[tilespmem:$0x1CC00] =	vst v63  }
0xb5: {  	_ =	swait.ge [sflag:s26], $0x4000  }
0xb6: {  	[sflag:s26] =	ssyncset.done $0x0  }
0xb7: {  	[sflag:s26] =	ssyncadd.s32 $0xFFFFC000  }
0xb8: {  	[spmem:s5] =	stream.indirect.scatter.add.f32 [tilespmem:s18], [sflag:$0x3], $0x80, s9, s17, $0xb8;
	[tilespmem:$0x1CC00] =	vst v63  }
0xb9: {  	_ =	swait.ge [sflag:s28], $0x4000  }
0xba: {  	[sflag:s28] =	ssyncset.done $0x0  }
0xbb: {  	[sflag:s28] =	ssyncadd.s32 $0xFFFFC000  }
0xbc: {  	[tilespmem:s18], [sflag:$0x1] =	stream.indirect.gather [hbm4b:s1+s17], $0x80, s10, s17, $0xb8;
	[tilespmem:$0x1CC00] =	vst v63  }
0xbd: {  	_ =	swait.ge [sflag:s30], $0x4000  }
0xbe: {  	[sflag:s30] =	ssyncset.done $0x0  }
0xbf: {  	[sflag:s30] =	ssyncadd.s32 $0xFFFFC000  }
0xc0: {  	[spmem:s5] =	stream.indirect.scatter.add.f32 [tilespmem:s20], [sflag:$0x4], $0x80, s11, s17, $0xb8;
	[tilespmem:$0x1CC00] =	vst v63  }
0xc1: {  	_ =	swait.ge [sflag:s0], $0x4000  }
0xc2: {  	[sflag:s0] =	ssyncset.done $0x0  }
0xc3: {  	[sflag:s0] =	ssyncadd.s32 $0xFFFFC000  }
0xc4: {  	[tilespmem:s20], [sflag:$0x2] =	stream.indirect.gather [hbm4b:s1+s17], $0x80, s12, s17, $0xb8;
	[tilespmem:$0x1CC00] =	vst v63  }
0xc5: {  	_ =	swait.ge [sflag:s26], $0x4000  }
0xc6: {  	[sflag:s26] =	ssyncset.done $0x0  }
.Ltmp2:
0xc7: {  	[sflag:s26] =	ssyncadd.s32 $0xFFFFC000;
	(pc) =	sbr.rel @p0 .LBB2_4-.Ltmp2, $4  }
0xc8: {  	[spmem:s5] =	stream.indirect.scatter.add.f32 [tilespmem:s18], [sflag:$0x3], $0x80, s21, s17, $0xb8;
	[tilespmem:$0x1CC00] =	vst v63  }
0xc9: {  	_ =	swait.ge [sflag:s28], $0x4000  }
0xca: {  	[sflag:s28] =	ssyncset.done $0x0  }
0xcb: {  	[sflag:s28] =	ssyncadd.s32 $0xFFFFC000  }
0xcc: {  	_ =	swait.ge [sflag:s22], $0x400  }
0xcd: {  	[sflag:s22] =	ssyncset.done $0x0  }
0xce: {  	[sflag:s22] =	ssyncadd.s32 $0xFFFFFC00  }
0xcf: {  	_ =	swait.ge [sflag:s22], $0x400  }
0xd0: {  	[sflag:s22] =	ssyncset.done $0x0  }
0xd1: {  	[sflag:s22] =	ssyncadd.s32 $0xFFFFFC00  }
0xd2: {  	[tilespmem:s18], [sflag:$0x1] =	stream.indirect.gather [hbm4b:s1+s17], $0x80, s6, s17, $0xb8;
	[tilespmem:$0x1CC00] =	vst v63  }
0xd3: {  	_ =	swait.ge [sflag:s30], $0x4000  }
0xd4: {  	[sflag:s30] =	ssyncset.done $0x0  }
0xd5: {  	[sflag:s30] =	ssyncadd.s32 $0xFFFFC000  }
0xd6: {  	[spmem:s5] =	stream.indirect.scatter.add.f32 [tilespmem:s20], [sflag:$0x4], $0x80, s19, s17, $0xb8;
	[tilespmem:$0x1CC00] =	vst v63  }
.Ltmp3:
0xd7: {  	_ = 	snop;
	(pc) =	sbr.rel .LBB2_2-.Ltmp3, $4  }
0xd8: {  	_ =	swait.ge [sflag:s0], $0x4000  }
0xd9: {  	[sflag:s0] =	ssyncset.done $0x0  }
0xda: {  	s15 =	sadd.s32 $0x800, s15;
	s23 =	sadd.s32 $0x100, s23;
	[sflag:s0] =	ssyncadd.s32 $0xFFFFC000  }
0xdb: {  	[tilespmem:s20], [sflag:$0x2] =	stream.indirect.gather [hbm4b:s1+s17], $0x80, s17, s17, $0xb8;
	[tilespmem:$0x1CC00] =	vst v63  }
.LBB2_5:
0xdc: {  	_ =	sfence.sel $0x180000  }
0xdd: {  	[bflag:$0x0] =	sbarrier.arrive $0xFFFF  }
0xde: {  	_ =	strace $0x90000047  }
0xdf: {  	s0 =	stileid.u32;
	[bflag:$0x2] =	sbarrier.arrive $0xFFFF  }
0xe0: {  	p0 =	sne.s32 s0, $0x0;
	s0 =	rddreg [dreg:$0x5]  }
0xe1: {  	s0 =	sadd.s32 @!p0 $0x100000, s0  }
0xe2: {  	[sflag:s0] =	ssyncadd.tile.s32 @!p0 $0x1;
	_ =	shalt  }
.Lfunc_end2:
_tile_overlayer_lowered:
.L_overlay_start_2:
0xe3: {  	(tag) =	ssettag $0x2  }
0xe4: {  	s0 =	rddreg [dreg:$0x0];
	s2 =	stileid.u32  }
0xe5: {  	s1 =	rddreg [dreg:$0x1];
	p0 =	sne.s32 s2, $0x0  }
0xe6: {  	s3 =	rddreg [dreg:$0x2];
	[bflag:$0x3] =	sbarrier.arrive $0xFFFF;
	s2 =	simm.s32 @!p0 $0x1C07  }
0xe7: {  	[timem:s3], [sflag:s2] =	dma.local @!p0 [hbm:s0], s1  }
0xe8: {  	s0 =	simm.s32 @!p0 $0x7  }
0xe9: {  	_ =	swait.ge @!p0 [sflag:s0], s1  }
0xea: {  	s1 =	ssub.s32 @!p0 $0x0, s1;
	[sflag:s0] =	ssyncset.done @!p0 $0x0  }
0xeb: {  	[sflag:s0] =	ssyncadd.s32 @!p0 s1  }
0xec: {  	[bflag:$0x3] =	sbarrier.arrive $0xFFFF  }
0xed: {  	_ =	shalt  }

</sc_bundles>
